<compile_context>
chip_gen: v7x
topology: tpu7x:2x2x1
jax: 0.10.2.dev20260603
libtpu: 0.0.44.dev20260713+nightly
codegen_flags: <defaults>
</compile_context>

<pallas_src>
import functools
import jax
import jax.numpy as jnp
from jax import lax
from jax.experimental import pallas as pl
from jax.experimental.pallas import tpu as pltpu
from jax.experimental.pallas import tpu_sc as plsc

NEG = jnp.finfo(jnp.float32).min

_N = 8192
_NW = 32
_SC_ROWS = 2048
_RPW = _SC_ROWS // _NW
_RC = 4
_NCH = _RPW // _RC
_LANES = 16
_KV = _N // _LANES
_KU = 4

_BR = 256
_BR2 = (_N - _SC_ROWS) // (_N // _BR)


def _sc_sum_body(adj_hbm, f1_hbm, out_hbm, f1_v, buf0, buf1, out_v, acc_buf,
                 sem0, sem1):
    wid = lax.axis_index("s") * 2 + lax.axis_index("c")
    base = (_N - _SC_ROWS) + wid * _RPW
    pltpu.sync_copy(f1_hbm, f1_v)
    bufs = (buf0, buf1)
    sems = (sem0, sem1)
    lanes = lax.iota(jnp.int32, _LANES)

    pltpu.async_copy(adj_hbm.at[pl.ds(base, _RC)], buf0, sem0)

    def group_body(g, _):
        for cc in range(_LANES // _RC):
            c = g * (_LANES // _RC) + cc
            p = cc % 2
            buf = bufs[p]
            row0 = base + c * _RC
            pltpu.make_async_copy(adj_hbm.at[pl.ds(row0, _RC)], buf, sems[p]).wait()

            @pl.when(c + 1 < _NCH)
            def _prefetch():
                pltpu.async_copy(
                    adj_hbm.at[pl.ds(row0 + _RC, _RC)], bufs[1 - p], sems[1 - p])

            def kbody(k, accs):
                accs = list(accs)
                for u in range(_KU):
                    off = (k * _KU + u) * _LANES
                    f = f1_v[pl.ds(off, _LANES)]
                    for r in range(_RC):
                        a = buf[r, pl.ds(off, _LANES)].astype(jnp.float32)
                        accs[r] = accs[r] + a * f
                return tuple(accs)

            accs = lax.fori_loop(
                0, _KV // _KU, kbody, tuple(jnp.zeros((_LANES,), jnp.float32)
                                            for _ in range(_RC)))
            for r in range(_RC):
                acc_buf[cc * _RC + r, :] = accs[r]
        res = jnp.zeros((_LANES,), jnp.float32)
        for t in range(_LANES):
            col = jnp.full((_LANES,), t, jnp.int32)
            res = res + plsc.load_gather(acc_buf, [lanes, col])
        out_v[pl.ds(g * _LANES, _LANES)] = res
        return 0

    lax.fori_loop(0, _RPW // _LANES, group_body, 0)
    pltpu.sync_copy(out_v, out_hbm.at[pl.ds(base - (_N - _SC_ROWS), _RPW)])


def _sc_scal2_top(adj_1to2, f1_row):
    mesh = plsc.VectorSubcoreMesh(core_axis_name="c", subcore_axis_name="s")
    return pl.kernel(
        _sc_sum_body,
        out_type=jax.ShapeDtypeStruct((_SC_ROWS,), jnp.float32),
        mesh=mesh,
        compiler_params=pltpu.CompilerParams(needs_layout_passes=False),
        scratch_types=[
            pltpu.VMEM((_N,), jnp.float32),
            pltpu.VMEM((_RC, _N), jnp.int32),
            pltpu.VMEM((_RC, _N), jnp.int32),
            pltpu.VMEM((_RPW,), jnp.float32),
            pltpu.VMEM((_LANES, _LANES), jnp.float32),
            pltpu.SemaphoreType.DMA,
            pltpu.SemaphoreType.DMA,
        ],
    )(adj_1to2, f1_row)


def _tc_main_body(adj21, adj12, f2, f1, x1, x2b, w1s, w1n, w2s, w2n,
                  out1, out2b):
    a21 = adj21[...]
    vals = jnp.where(a21 != 0, f2[...], NEG)
    m = jnp.max(vals, axis=1, keepdims=True)
    h = jnp.max(a21, axis=1, keepdims=True)
    s = jnp.sum(jnp.where(adj12[...] != 0, f1[...], 0.0), axis=1, keepdims=True)

    scal1 = jnp.where(h > 0, m, 0.0)
    wsum1 = jnp.sum(w1n[...], axis=1)
    wsum2 = jnp.sum(w2n[...], axis=1)
    o1 = jnp.dot(x1[...], w1s[...].T, preferred_element_type=jnp.float32)
    o2 = jnp.dot(x2b[...], w2s[...].T, preferred_element_type=jnp.float32)
    out1[...] = jnp.maximum(o1 + scal1 * wsum1[None, :], 0.0)
    out2b[...] = jnp.maximum(o2 + s * wsum2[None, :], 0.0)


def _tc_out2_body(scal2, x2, w2s, w2n, out2):
    wsum2 = jnp.sum(w2n[...], axis=1)
    o2 = jnp.dot(x2[...], w2s[...].T, preferred_element_type=jnp.float32)
    out2[...] = jnp.maximum(o2 + scal2[...] * wsum2[None, :], 0.0)


def kernel(node_feats1, node_feats2, adj_1to2, adj_2to1,
           W1_self, W1_neigh, W2_self, W2_neigh):
    n1, d_in = node_feats1.shape
    n2, _ = node_feats2.shape
    d_out = W1_self.shape[0]

    f1_row = node_feats1[:, 0]
    f2_row = node_feats2[:, 0].reshape(1, n2)

    scal2_top = _sc_scal2_top(adj_1to2, f1_row)

    nr = n1 // _BR

    out1, out2b = pl.pallas_call(
        _tc_main_body,
        grid=(nr,),
        in_specs=[
            pl.BlockSpec((_BR, n2), lambda r: (r, 0)),
            pl.BlockSpec((_BR2, n1), lambda r: (r, 0)),
            pl.BlockSpec((1, n2), lambda r: (0, 0)),
            pl.BlockSpec((1, n1), lambda r: (0, 0)),
            pl.BlockSpec((_BR, d_in), lambda r: (r, 0)),
            pl.BlockSpec((_BR2, d_in), lambda r: (r, 0)),
            pl.BlockSpec((d_out, d_in), lambda r: (0, 0)),
            pl.BlockSpec((d_out, d_in), lambda r: (0, 0)),
            pl.BlockSpec((d_out, d_in), lambda r: (0, 0)),
            pl.BlockSpec((d_out, d_in), lambda r: (0, 0)),
        ],
        out_specs=[
            pl.BlockSpec((_BR, d_out), lambda r: (r, 0)),
            pl.BlockSpec((_BR2, d_out), lambda r: (r, 0)),
        ],
        out_shape=[
            jax.ShapeDtypeStruct((n1, d_out), jnp.float32),
            jax.ShapeDtypeStruct((n2 - _SC_ROWS, d_out), jnp.float32),
        ],
        compiler_params=pltpu.CompilerParams(
            dimension_semantics=("parallel",),
        ),
    )(adj_2to1, adj_1to2, f2_row, f1_row.reshape(1, n1), node_feats1,
      node_feats2, W1_self, W1_neigh, W2_self, W2_neigh)

    br2 = 512
    out2t = pl.pallas_call(
        _tc_out2_body,
        grid=(_SC_ROWS // br2,),
        in_specs=[
            pl.BlockSpec((br2, 1), lambda r: (r, 0)),
            pl.BlockSpec((br2, d_in), lambda r: (r + (_N - _SC_ROWS) // 512, 0)),
            pl.BlockSpec((d_out, d_in), lambda r: (0, 0)),
            pl.BlockSpec((d_out, d_in), lambda r: (0, 0)),
        ],
        out_specs=pl.BlockSpec((br2, d_out), lambda r: (r, 0)),
        out_shape=jax.ShapeDtypeStruct((_SC_ROWS, d_out), jnp.float32),
        compiler_params=pltpu.CompilerParams(
            dimension_semantics=("arbitrary",),
        ),
    )(scal2_top.reshape(_SC_ROWS, 1), node_feats2, W2_self, W2_neigh)

    out2 = jnp.concatenate([out2b, out2t], axis=0)
    return out1, out2

# --- scband reference (transcript-rebuilt; emitter-appended) ---
"""Pipeline reference for scband-gnndual-layer-89215060672585 (READ-ONLY COPY).

The authoritative reference and input builder live on the scoring server;
editing this copy changes nothing except your own understanding.
"""

import jax, jax.numpy as jnp
import numpy as np

N1 = 8192
N2 = 8192
D_IN = 128
D_OUT = 128


def setup_inputs(seed: int = 0) -> dict:
    key = jax.random.key(seed)
    ks = jax.random.split(key, 8)
    node_feats1 = jax.random.normal(ks[0], (N1, D_IN), dtype=jnp.float32)
    node_feats2 = jax.random.normal(ks[1], (N2, D_IN), dtype=jnp.float32)
    adj_1to2 = jax.random.randint(ks[2], (N2, N1), 0, 2, dtype=jnp.int32)
    adj_2to1 = jax.random.randint(ks[3], (N1, N2), 0, 2, dtype=jnp.int32)
    s = 1.0 / np.sqrt(D_IN)
    W1_self = jax.random.uniform(ks[4], (D_OUT, D_IN), dtype=jnp.float32, minval=-s, maxval=s)
    W1_neigh = jax.random.uniform(ks[5], (D_OUT, D_IN), dtype=jnp.float32, minval=-s, maxval=s)
    W2_self = jax.random.uniform(ks[6], (D_OUT, D_IN), dtype=jnp.float32, minval=-s, maxval=s)
    W2_neigh = jax.random.uniform(ks[7], (D_OUT, D_IN), dtype=jnp.float32, minval=-s, maxval=s)
    return {"node_feats1": node_feats1, "node_feats2": node_feats2, "adj_1to2": adj_1to2, "adj_2to1": adj_2to1, "W1_self": W1_self, "W1_neigh": W1_neigh, "W2_self": W2_self, "W2_neigh": W2_neigh}


def reference(node_feats1, node_feats2, adj_1to2, adj_2to1, W1_self, W1_neigh, W2_self, W2_neigh):
    # Faithful translation of the original forward, including the quirk that
    # agg[0][1] is a SCALAR (feature-0 aggregated over segment index 1, i.e.
    # over neighbors), broadcast across the whole feature row of neigh_agg.
    neg = jnp.finfo(jnp.float32).min

    # Graph-1 side: MaxAggregation of node_feats2 feature 0 over neighbors.
    f2_0 = node_feats2[:, 0]                      # [N2]
    mask1 = (adj_2to1 == 1)                       # [N1, N2]
    has1 = jnp.any(mask1, axis=1)                 # shape[1]==2 iff some neighbor
    m1 = jnp.max(jnp.where(mask1, f2_0[None, :], neg), axis=1)
    scal1 = jnp.where(has1, m1, 0.0)              # rows with no neighbor stay zero
    neigh_agg1 = jnp.broadcast_to(scal1[:, None], node_feats1.shape)

    # Graph-2 side: SumAggregation of node_feats1 feature 0 over neighbors.
    f1_0 = node_feats1[:, 0]                      # [N1]
    mask2 = (adj_1to2 == 1)                       # [N2, N1]
    has2 = jnp.any(mask2, axis=1)
    s2 = jnp.sum(jnp.where(mask2, f1_0[None, :], 0.0), axis=1)
    scal2 = jnp.where(has2, s2, 0.0)
    neigh_agg2 = jnp.broadcast_to(scal2[:, None], node_feats2.shape)

    out1 = jax.nn.relu(node_feats1 @ W1_self.T + neigh_agg1 @ W1_neigh.T)
    out2 = jax.nn.relu(node_feats2 @ W2_self.T + neigh_agg2 @ W2_neigh.T)
    return out1, out2

if __name__ == "__main__":
    import jax
    _d = setup_inputs()
    print(jax.jit(kernel)(*tuple(_d.values())))

</pallas_src>

<mosaic_0001>
#map = affine_map<(d0, d1) -> (0, 0)>
#map1 = affine_map<(d0, d1) -> (0)>
module attributes {stable_mosaic.version = 14 : i64} {
  func.func @_sc_sum_body(%arg0: i32, %arg1: i32, %arg2: memref<8192x8192xi32, #tpu.memory_space<hbm>>, %arg3: memref<8192xf32, #tpu.memory_space<hbm>>, %arg4: memref<2048xf32, #tpu.memory_space<hbm>>, %arg5: memref<8192xf32, #tpu.memory_space<vmem>>, %arg6: memref<4x8192xi32, #tpu.memory_space<vmem>>, %arg7: memref<4x8192xi32, #tpu.memory_space<vmem>>, %arg8: memref<64xf32, #tpu.memory_space<vmem>>, %arg9: memref<16x16xf32, #tpu.memory_space<vmem>>, %arg10: memref<!tpu.dma_semaphore, #tpu.memory_space<semaphore_mem>>, %arg11: memref<!tpu.dma_semaphore, #tpu.memory_space<semaphore_mem>>) attributes {dimension_semantics = [#tpu.dimension_semantics<core_parallel>, #tpu.dimension_semantics<subcore_parallel>], iteration_bounds = array<i64: 2, 16>, scalar_prefetch = 0 : i64, scratch_operands = 7 : i64, tpu.core_type = #tpu.core_type<sc_vector_subcore>, window_params = [{transform_indices = #map}, {transform_indices = #map1}, {transform_indices = #map1}]} {
    %mul3A = arith.constant 2 : i32
    %mul3A_0 = arith.muli %arg1, %mul3A : i32
    %add3A = arith.addi %mul3A_0, %arg0 : i32
    %mul3A_1 = arith.constant 64 : i32
    %mul3A_2 = arith.muli %add3A, %mul3A_1 : i32
    %add3A_3 = arith.constant 6144 : i32
    %add3A_4 = arith.addi %add3A_3, %mul3A_2 : i32
    "tpu.region"() ({
      %run_scoped3A = tpu.sem_alloc : memref<!tpu.dma_semaphore, #tpu.memory_space<semaphore_mem>>
      tpu.enqueue_dma source(%arg3 : memref<8192xf32, #tpu.memory_space<hbm>>) target(%arg5 : memref<8192xf32, #tpu.memory_space<vmem>>) target_semaphore(%run_scoped3A : memref<!tpu.dma_semaphore, #tpu.memory_space<semaphore_mem>>)
      tpu.wait_dma2 semaphore(%run_scoped3A : memref<!tpu.dma_semaphore, #tpu.memory_space<semaphore_mem>>) src(%arg3 : memref<8192xf32, #tpu.memory_space<hbm>>) dst(%arg5 : memref<8192xf32, #tpu.memory_space<vmem>>)
      tpu.yield
    }) : () -> ()
    %iota3A = tpu.iota {dimensions = array<i32: 0>} : vector<16xi32>
    %dma_start3A = arith.constant 0 : i32
    %dma_start3A_5 = tpu.memref_slice %arg2[%add3A_4, %dma_start3A] : memref<8192x8192xi32, #tpu.memory_space<hbm>> -> memref<4x8192xi32, #tpu.memory_space<hbm>>
    %dma_start3A_6 = arith.constant 0 : i32
    %dma_start3A_7 = tpu.memref_slice %arg2[%add3A_4, %dma_start3A_6] : memref<8192x8192xi32, #tpu.memory_space<hbm>> -> memref<4x8192xi32, #tpu.memory_space<hbm>>
    tpu.enqueue_dma source(%dma_start3A_7 : memref<4x8192xi32, #tpu.memory_space<hbm>>) target(%arg6 : memref<4x8192xi32, #tpu.memory_space<vmem>>) target_semaphore(%arg10 : memref<!tpu.dma_semaphore, #tpu.memory_space<semaphore_mem>>)
    %scan3A = arith.constant 0 : i32
    %scan3A_8 = arith.constant 0 : i32
    %scan3A_9 = arith.constant 4 : i32
    %scan3A_10 = arith.addi %scan3A_8, %scan3A_9 : i32
    %scan3A_11 = arith.constant 1 : i32
    %scan3A_12 = scf.for %scan3A_15 = %scan3A_8 to %scan3A_10 step %scan3A_11 iter_args(%scan3A_16 = %scan3A) -> (i32)  : i32 {
      %mul3A_17 = arith.constant 4 : i32
      %mul3A_18 = arith.muli %scan3A_15, %mul3A_17 : i32
      %add3A_19 = arith.constant 0 : i32
      %add3A_20 = arith.addi %mul3A_18, %add3A_19 : i32
      %mul3A_21 = arith.constant 4 : i32
      %mul3A_22 = arith.muli %add3A_20, %mul3A_21 : i32
      %add3A_23 = arith.addi %add3A_4, %mul3A_22 : i32
      %dma_wait3A = arith.constant 0 : i32
      %dma_wait3A_24 = tpu.memref_slice %arg2[%add3A_23, %dma_wait3A] : memref<8192x8192xi32, #tpu.memory_space<hbm>> -> memref<4x8192xi32, #tpu.memory_space<hbm>>
      %dma_wait3A_25 = arith.constant 0 : i32
      %dma_wait3A_26 = tpu.memref_slice %arg2[%add3A_23, %dma_wait3A_25] : memref<8192x8192xi32, #tpu.memory_space<hbm>> -> memref<4x8192xi32, #tpu.memory_space<hbm>>
      tpu.wait_dma2 semaphore(%arg10 : memref<!tpu.dma_semaphore, #tpu.memory_space<semaphore_mem>>) src(%dma_wait3A_26 : memref<4x8192xi32, #tpu.memory_space<hbm>>) dst(%arg6 : memref<4x8192xi32, #tpu.memory_space<vmem>>)
      %add3A_27 = arith.constant 1 : i32
      %add3A_28 = arith.addi %add3A_20, %add3A_27 : i32
      %lt3A = arith.constant 16 : i32
      %lt3A_29 = arith.cmpi slt, %add3A_28, %lt3A : i32
      %convert_element_type3A = arith.extui %lt3A_29 : i1 to i32
      %cond3A = arith.constant 0 : i32
      %cond3A_30 = arith.cmpi ne, %convert_element_type3A, %cond3A : i32
      scf.if %cond3A_30 {
        %add3A_273 = arith.constant 4 : i32
        %add3A_274 = arith.addi %add3A_23, %add3A_273 : i32
        %dma_start3A_275 = arith.constant 0 : i32
        %dma_start3A_276 = tpu.memref_slice %arg2[%add3A_274, %dma_start3A_275] : memref<8192x8192xi32, #tpu.memory_space<hbm>> -> memref<4x8192xi32, #tpu.memory_space<hbm>>
        %dma_start3A_277 = arith.constant 0 : i32
        %dma_start3A_278 = tpu.memref_slice %arg2[%add3A_274, %dma_start3A_277] : memref<8192x8192xi32, #tpu.memory_space<hbm>> -> memref<4x8192xi32, #tpu.memory_space<hbm>>
        tpu.enqueue_dma source(%dma_start3A_278 : memref<4x8192xi32, #tpu.memory_space<hbm>>) target(%arg7 : memref<4x8192xi32, #tpu.memory_space<vmem>>) target_semaphore(%arg11 : memref<!tpu.dma_semaphore, #tpu.memory_space<semaphore_mem>>)
      } else {
      }
      %broadcast_in_dim3A = arith.constant 0.000000e+00 : f32
      %broadcast_in_dim3A_31 = vector.broadcast %broadcast_in_dim3A : f32 to vector<16xf32>
      %broadcast_in_dim3A_32 = arith.constant 0.000000e+00 : f32
      %broadcast_in_dim3A_33 = vector.broadcast %broadcast_in_dim3A_32 : f32 to vector<16xf32>
      %broadcast_in_dim3A_34 = arith.constant 0.000000e+00 : f32
      %broadcast_in_dim3A_35 = vector.broadcast %broadcast_in_dim3A_34 : f32 to vector<16xf32>
      %broadcast_in_dim3A_36 = arith.constant 0.000000e+00 : f32
      %broadcast_in_dim3A_37 = vector.broadcast %broadcast_in_dim3A_36 : f32 to vector<16xf32>
      %scan3A_38 = arith.constant 0 : i32
      %scan3A_39 = arith.constant 128 : i32
      %scan3A_40 = arith.addi %scan3A_38, %scan3A_39 : i32
      %scan3A_41 = arith.constant 1 : i32
      %scan3A_42:4 = scf.for %scan3A_273 = %scan3A_38 to %scan3A_40 step %scan3A_41 iter_args(%scan3A_274 = %broadcast_in_dim3A_31, %scan3A_275 = %broadcast_in_dim3A_33, %scan3A_276 = %broadcast_in_dim3A_35, %scan3A_277 = %broadcast_in_dim3A_37) -> (vector<16xf32>, vector<16xf32>, vector<16xf32>, vector<16xf32>)  : i32 {
        %mul3A_278 = arith.constant 4 : i32
        %mul3A_279 = arith.muli %scan3A_273, %mul3A_278 : i32
        %add3A_280 = arith.constant 0 : i32
        %add3A_281 = arith.addi %mul3A_279, %add3A_280 : i32
        %mul3A_282 = arith.constant 16 : i32
        %mul3A_283 = arith.muli %add3A_281, %mul3A_282 : i32
        %get3A = arith.index_cast %mul3A_283 : i32 to index
        %get3A_284 = tpu.vector_load %arg5[%get3A] {strides = array<i32>} : memref<8192xf32, #tpu.memory_space<vmem>>, vector<16xf32>,
        %get3A_285 = arith.constant 0 : i32
        %get3A_286 = arith.index_cast %get3A_285 : i32 to index
        %get3A_287 = arith.index_cast %mul3A_283 : i32 to index
        %get3A_288 = tpu.vector_load %arg6[%get3A_286, %get3A_287] {strides = array<i32>} : memref<4x8192xi32, #tpu.memory_space<vmem>>, vector<16xi32>,
        %convert_element_type3A_289 = arith.sitofp %get3A_288 : vector<16xi32> to vector<16xf32>
        %mul3A_290 = arith.mulf %convert_element_type3A_289, %get3A_284 : vector<16xf32>
        %add3A_291 = arith.addf %scan3A_274, %mul3A_290 : vector<16xf32>
        %get3A_292 = arith.constant 1 : i32
        %get3A_293 = arith.index_cast %get3A_292 : i32 to index
        %get3A_294 = arith.index_cast %mul3A_283 : i32 to index
        %get3A_295 = tpu.vector_load %arg6[%get3A_293, %get3A_294] {strides = array<i32>} : memref<4x8192xi32, #tpu.memory_space<vmem>>, vector<16xi32>,
        %convert_element_type3A_296 = arith.sitofp %get3A_295 : vector<16xi32> to vector<16xf32>
        %mul3A_297 = arith.mulf %convert_element_type3A_296, %get3A_284 : vector<16xf32>
        %add3A_298 = arith.addf %scan3A_275, %mul3A_297 : vector<16xf32>
        %get3A_299 = arith.constant 2 : i32
        %get3A_300 = arith.index_cast %get3A_299 : i32 to index
        %get3A_301 = arith.index_cast %mul3A_283 : i32 to index
        %get3A_302 = tpu.vector_load %arg6[%get3A_300, %get3A_301] {strides = array<i32>} : memref<4x8192xi32, #tpu.memory_space<vmem>>, vector<16xi32>,
        %convert_element_type3A_303 = arith.sitofp %get3A_302 : vector<16xi32> to vector<16xf32>
        %mul3A_304 = arith.mulf %convert_element_type3A_303, %get3A_284 : vector<16xf32>
        %add3A_305 = arith.addf %scan3A_276, %mul3A_304 : vector<16xf32>
        %get3A_306 = arith.constant 3 : i32
        %get3A_307 = arith.index_cast %get3A_306 : i32 to index
        %get3A_308 = arith.index_cast %mul3A_283 : i32 to index
        %get3A_309 = tpu.vector_load %arg6[%get3A_307, %get3A_308] {strides = array<i32>} : memref<4x8192xi32, #tpu.memory_space<vmem>>, vector<16xi32>,
        %convert_element_type3A_310 = arith.sitofp %get3A_309 : vector<16xi32> to vector<16xf32>
        %mul3A_311 = arith.mulf %convert_element_type3A_310, %get3A_284 : vector<16xf32>
        %add3A_312 = arith.addf %scan3A_277, %mul3A_311 : vector<16xf32>
        %mul3A_313 = arith.constant 4 : i32
        %mul3A_314 = arith.muli %scan3A_273, %mul3A_313 : i32
        %add3A_315 = arith.constant 1 : i32
        %add3A_316 = arith.addi %mul3A_314, %add3A_315 : i32
        %mul3A_317 = arith.constant 16 : i32
        %mul3A_318 = arith.muli %add3A_316, %mul3A_317 : i32
        %get3A_319 = arith.index_cast %mul3A_318 : i32 to index
        %get3A_320 = tpu.vector_load %arg5[%get3A_319] {strides = array<i32>} : memref<8192xf32, #tpu.memory_space<vmem>>, vector<16xf32>,
        %get3A_321 = arith.constant 0 : i32
        %get3A_322 = arith.index_cast %get3A_321 : i32 to index
        %get3A_323 = arith.index_cast %mul3A_318 : i32 to index
        %get3A_324 = tpu.vector_load %arg6[%get3A_322, %get3A_323] {strides = array<i32>} : memref<4x8192xi32, #tpu.memory_space<vmem>>, vector<16xi32>,
        %convert_element_type3A_325 = arith.sitofp %get3A_324 : vector<16xi32> to vector<16xf32>
        %mul3A_326 = arith.mulf %convert_element_type3A_325, %get3A_320 : vector<16xf32>
        %add3A_327 = arith.addf %add3A_291, %mul3A_326 : vector<16xf32>
        %get3A_328 = arith.constant 1 : i32
        %get3A_329 = arith.index_cast %get3A_328 : i32 to index
        %get3A_330 = arith.index_cast %mul3A_318 : i32 to index
        %get3A_331 = tpu.vector_load %arg6[%get3A_329, %get3A_330] {strides = array<i32>} : memref<4x8192xi32, #tpu.memory_space<vmem>>, vector<16xi32>,
        %convert_element_type3A_332 = arith.sitofp %get3A_331 : vector<16xi32> to vector<16xf32>
        %mul3A_333 = arith.mulf %convert_element_type3A_332, %get3A_320 : vector<16xf32>
        %add3A_334 = arith.addf %add3A_298, %mul3A_333 : vector<16xf32>
        %get3A_335 = arith.constant 2 : i32
        %get3A_336 = arith.index_cast %get3A_335 : i32 to index
        %get3A_337 = arith.index_cast %mul3A_318 : i32 to index
        %get3A_338 = tpu.vector_load %arg6[%get3A_336, %get3A_337] {strides = array<i32>} : memref<4x8192xi32, #tpu.memory_space<vmem>>, vector<16xi32>,
        %convert_element_type3A_339 = arith.sitofp %get3A_338 : vector<16xi32> to vector<16xf32>
        %mul3A_340 = arith.mulf %convert_element_type3A_339, %get3A_320 : vector<16xf32>
        %add3A_341 = arith.addf %add3A_305, %mul3A_340 : vector<16xf32>
        %get3A_342 = arith.constant 3 : i32
        %get3A_343 = arith.index_cast %get3A_342 : i32 to index
        %get3A_344 = arith.index_cast %mul3A_318 : i32 to index
        %get3A_345 = tpu.vector_load %arg6[%get3A_343, %get3A_344] {strides = array<i32>} : memref<4x8192xi32, #tpu.memory_space<vmem>>, vector<16xi32>,
        %convert_element_type3A_346 = arith.sitofp %get3A_345 : vector<16xi32> to vector<16xf32>
        %mul3A_347 = arith.mulf %convert_element_type3A_346, %get3A_320 : vector<16xf32>
        %add3A_348 = arith.addf %add3A_312, %mul3A_347 : vector<16xf32>
        %mul3A_349 = arith.constant 4 : i32
        %mul3A_350 = arith.muli %scan3A_273, %mul3A_349 : i32
        %add3A_351 = arith.constant 2 : i32
        %add3A_352 = arith.addi %mul3A_350, %add3A_351 : i32
        %mul3A_353 = arith.constant 16 : i32
        %mul3A_354 = arith.muli %add3A_352, %mul3A_353 : i32
        %get3A_355 = arith.index_cast %mul3A_354 : i32 to index
        %get3A_356 = tpu.vector_load %arg5[%get3A_355] {strides = array<i32>} : memref<8192xf32, #tpu.memory_space<vmem>>, vector<16xf32>,
        %get3A_357 = arith.constant 0 : i32
        %get3A_358 = arith.index_cast %get3A_357 : i32 to index
        %get3A_359 = arith.index_cast %mul3A_354 : i32 to index
        %get3A_360 = tpu.vector_load %arg6[%get3A_358, %get3A_359] {strides = array<i32>} : memref<4x8192xi32, #tpu.memory_space<vmem>>, vector<16xi32>,
        %convert_element_type3A_361 = arith.sitofp %get3A_360 : vector<16xi32> to vector<16xf32>
        %mul3A_362 = arith.mulf %convert_element_type3A_361, %get3A_356 : vector<16xf32>
        %add3A_363 = arith.addf %add3A_327, %mul3A_362 : vector<16xf32>
        %get3A_364 = arith.constant 1 : i32
        %get3A_365 = arith.index_cast %get3A_364 : i32 to index
        %get3A_366 = arith.index_cast %mul3A_354 : i32 to index
        %get3A_367 = tpu.vector_load %arg6[%get3A_365, %get3A_366] {strides = array<i32>} : memref<4x8192xi32, #tpu.memory_space<vmem>>, vector<16xi32>,
        %convert_element_type3A_368 = arith.sitofp %get3A_367 : vector<16xi32> to vector<16xf32>
        %mul3A_369 = arith.mulf %convert_element_type3A_368, %get3A_356 : vector<16xf32>
        %add3A_370 = arith.addf %add3A_334, %mul3A_369 : vector<16xf32>
        %get3A_371 = arith.constant 2 : i32
        %get3A_372 = arith.index_cast %get3A_371 : i32 to index
        %get3A_373 = arith.index_cast %mul3A_354 : i32 to index
        %get3A_374 = tpu.vector_load %arg6[%get3A_372, %get3A_373] {strides = array<i32>} : memref<4x8192xi32, #tpu.memory_space<vmem>>, vector<16xi32>,
        %convert_element_type3A_375 = arith.sitofp %get3A_374 : vector<16xi32> to vector<16xf32>
        %mul3A_376 = arith.mulf %convert_element_type3A_375, %get3A_356 : vector<16xf32>
        %add3A_377 = arith.addf %add3A_341, %mul3A_376 : vector<16xf32>
        %get3A_378 = arith.constant 3 : i32
        %get3A_379 = arith.index_cast %get3A_378 : i32 to index
        %get3A_380 = arith.index_cast %mul3A_354 : i32 to index
        %get3A_381 = tpu.vector_load %arg6[%get3A_379, %get3A_380] {strides = array<i32>} : memref<4x8192xi32, #tpu.memory_space<vmem>>, vector<16xi32>,
        %convert_element_type3A_382 = arith.sitofp %get3A_381 : vector<16xi32> to vector<16xf32>
        %mul3A_383 = arith.mulf %convert_element_type3A_382, %get3A_356 : vector<16xf32>
        %add3A_384 = arith.addf %add3A_348, %mul3A_383 : vector<16xf32>
        %mul3A_385 = arith.constant 4 : i32
        %mul3A_386 = arith.muli %scan3A_273, %mul3A_385 : i32
        %add3A_387 = arith.constant 3 : i32
        %add3A_388 = arith.addi %mul3A_386, %add3A_387 : i32
        %mul3A_389 = arith.constant 16 : i32
        %mul3A_390 = arith.muli %add3A_388, %mul3A_389 : i32
        %get3A_391 = arith.index_cast %mul3A_390 : i32 to index
        %get3A_392 = tpu.vector_load %arg5[%get3A_391] {strides = array<i32>} : memref<8192xf32, #tpu.memory_space<vmem>>, vector<16xf32>,
        %get3A_393 = arith.constant 0 : i32
        %get3A_394 = arith.index_cast %get3A_393 : i32 to index
        %get3A_395 = arith.index_cast %mul3A_390 : i32 to index
        %get3A_396 = tpu.vector_load %arg6[%get3A_394, %get3A_395] {strides = array<i32>} : memref<4x8192xi32, #tpu.memory_space<vmem>>, vector<16xi32>,
        %convert_element_type3A_397 = arith.sitofp %get3A_396 : vector<16xi32> to vector<16xf32>
        %mul3A_398 = arith.mulf %convert_element_type3A_397, %get3A_392 : vector<16xf32>
        %add3A_399 = arith.addf %add3A_363, %mul3A_398 : vector<16xf32>
        %get3A_400 = arith.constant 1 : i32
        %get3A_401 = arith.index_cast %get3A_400 : i32 to index
        %get3A_402 = arith.index_cast %mul3A_390 : i32 to index
        %get3A_403 = tpu.vector_load %arg6[%get3A_401, %get3A_402] {strides = array<i32>} : memref<4x8192xi32, #tpu.memory_space<vmem>>, vector<16xi32>,
        %convert_element_type3A_404 = arith.sitofp %get3A_403 : vector<16xi32> to vector<16xf32>
        %mul3A_405 = arith.mulf %convert_element_type3A_404, %get3A_392 : vector<16xf32>
        %add3A_406 = arith.addf %add3A_370, %mul3A_405 : vector<16xf32>
        %get3A_407 = arith.constant 2 : i32
        %get3A_408 = arith.index_cast %get3A_407 : i32 to index
        %get3A_409 = arith.index_cast %mul3A_390 : i32 to index
        %get3A_410 = tpu.vector_load %arg6[%get3A_408, %get3A_409] {strides = array<i32>} : memref<4x8192xi32, #tpu.memory_space<vmem>>, vector<16xi32>,
        %convert_element_type3A_411 = arith.sitofp %get3A_410 : vector<16xi32> to vector<16xf32>
        %mul3A_412 = arith.mulf %convert_element_type3A_411, %get3A_392 : vector<16xf32>
        %add3A_413 = arith.addf %add3A_377, %mul3A_412 : vector<16xf32>
        %get3A_414 = arith.constant 3 : i32
        %get3A_415 = arith.index_cast %get3A_414 : i32 to index
        %get3A_416 = arith.index_cast %mul3A_390 : i32 to index
        %get3A_417 = tpu.vector_load %arg6[%get3A_415, %get3A_416] {strides = array<i32>} : memref<4x8192xi32, #tpu.memory_space<vmem>>, vector<16xi32>,
        %convert_element_type3A_418 = arith.sitofp %get3A_417 : vector<16xi32> to vector<16xf32>
        %mul3A_419 = arith.mulf %convert_element_type3A_418, %get3A_392 : vector<16xf32>
        %add3A_420 = arith.addf %add3A_384, %mul3A_419 : vector<16xf32>
        scf.yield %add3A_399, %add3A_406, %add3A_413, %add3A_420 : vector<16xf32>, vector<16xf32>, vector<16xf32>, vector<16xf32>
      }
      %scan3A_43 = arith.constant 128 : i32
      %swap3A = arith.constant 0 : i32
      %swap3A_44 = arith.index_cast %swap3A : i32 to index
      %swap3A_45 = arith.constant 0 : index
      %swap3A_46 = tpu.vector_load %arg9[%swap3A_44, %swap3A_45] {strides = array<i32>} : memref<16x16xf32, #tpu.memory_space<vmem>>, vector<16xf32>,
      tpu.vector_store %arg9[%swap3A_44, %swap3A_45], %scan3A_42#0 {strides = array<i32>} : memref<16x16xf32, #tpu.memory_space<vmem>>, vector<16xf32>,
      %swap3A_47 = arith.constant 1 : i32
      %swap3A_48 = arith.index_cast %swap3A_47 : i32 to index
      %swap3A_49 = arith.constant 0 : index
      %swap3A_50 = tpu.vector_load %arg9[%swap3A_48, %swap3A_49] {strides = array<i32>} : memref<16x16xf32, #tpu.memory_space<vmem>>, vector<16xf32>,
      tpu.vector_store %arg9[%swap3A_48, %swap3A_49], %scan3A_42#1 {strides = array<i32>} : memref<16x16xf32, #tpu.memory_space<vmem>>, vector<16xf32>,
      %swap3A_51 = arith.constant 2 : i32
      %swap3A_52 = arith.index_cast %swap3A_51 : i32 to index
      %swap3A_53 = arith.constant 0 : index
      %swap3A_54 = tpu.vector_load %arg9[%swap3A_52, %swap3A_53] {strides = array<i32>} : memref<16x16xf32, #tpu.memory_space<vmem>>, vector<16xf32>,
      tpu.vector_store %arg9[%swap3A_52, %swap3A_53], %scan3A_42#2 {strides = array<i32>} : memref<16x16xf32, #tpu.memory_space<vmem>>, vector<16xf32>,
      %swap3A_55 = arith.constant 3 : i32
      %swap3A_56 = arith.index_cast %swap3A_55 : i32 to index
      %swap3A_57 = arith.constant 0 : index
      %swap3A_58 = tpu.vector_load %arg9[%swap3A_56, %swap3A_57] {strides = array<i32>} : memref<16x16xf32, #tpu.memory_space<vmem>>, vector<16xf32>,
      tpu.vector_store %arg9[%swap3A_56, %swap3A_57], %scan3A_42#3 {strides = array<i32>} : memref<16x16xf32, #tpu.memory_space<vmem>>, vector<16xf32>,
      %mul3A_59 = arith.constant 4 : i32
      %mul3A_60 = arith.muli %scan3A_15, %mul3A_59 : i32
      %add3A_61 = arith.constant 1 : i32
      %add3A_62 = arith.addi %mul3A_60, %add3A_61 : i32
      %mul3A_63 = arith.constant 4 : i32
      %mul3A_64 = arith.muli %add3A_62, %mul3A_63 : i32
      %add3A_65 = arith.addi %add3A_4, %mul3A_64 : i32
      %dma_wait3A_66 = arith.constant 0 : i32
      %dma_wait3A_67 = tpu.memref_slice %arg2[%add3A_65, %dma_wait3A_66] : memref<8192x8192xi32, #tpu.memory_space<hbm>> -> memref<4x8192xi32, #tpu.memory_space<hbm>>
      %dma_wait3A_68 = arith.constant 0 : i32
      %dma_wait3A_69 = tpu.memref_slice %arg2[%add3A_65, %dma_wait3A_68] : memref<8192x8192xi32, #tpu.memory_space<hbm>> -> memref<4x8192xi32, #tpu.memory_space<hbm>>
      tpu.wait_dma2 semaphore(%arg11 : memref<!tpu.dma_semaphore, #tpu.memory_space<semaphore_mem>>) src(%dma_wait3A_69 : memref<4x8192xi32, #tpu.memory_space<hbm>>) dst(%arg7 : memref<4x8192xi32, #tpu.memory_space<vmem>>)
      %add3A_70 = arith.constant 1 : i32
      %add3A_71 = arith.addi %add3A_62, %add3A_70 : i32
      %lt3A_72 = arith.constant 16 : i32
      %lt3A_73 = arith.cmpi slt, %add3A_71, %lt3A_72 : i32
      %convert_element_type3A_74 = arith.extui %lt3A_73 : i1 to i32
      %cond3A_75 = arith.constant 0 : i32
      %cond3A_76 = arith.cmpi ne, %convert_element_type3A_74, %cond3A_75 : i32
      scf.if %cond3A_76 {
        %add3A_273 = arith.constant 4 : i32
        %add3A_274 = arith.addi %add3A_65, %add3A_273 : i32
        %dma_start3A_275 = arith.constant 0 : i32
        %dma_start3A_276 = tpu.memref_slice %arg2[%add3A_274, %dma_start3A_275] : memref<8192x8192xi32, #tpu.memory_space<hbm>> -> memref<4x8192xi32, #tpu.memory_space<hbm>>
        %dma_start3A_277 = arith.constant 0 : i32
        %dma_start3A_278 = tpu.memref_slice %arg2[%add3A_274, %dma_start3A_277] : memref<8192x8192xi32, #tpu.memory_space<hbm>> -> memref<4x8192xi32, #tpu.memory_space<hbm>>
        tpu.enqueue_dma source(%dma_start3A_278 : memref<4x8192xi32, #tpu.memory_space<hbm>>) target(%arg6 : memref<4x8192xi32, #tpu.memory_space<vmem>>) target_semaphore(%arg10 : memref<!tpu.dma_semaphore, #tpu.memory_space<semaphore_mem>>)
      } else {
      }
      %broadcast_in_dim3A_77 = arith.constant 0.000000e+00 : f32
      %broadcast_in_dim3A_78 = vector.broadcast %broadcast_in_dim3A_77 : f32 to vector<16xf32>
      %broadcast_in_dim3A_79 = arith.constant 0.000000e+00 : f32
      %broadcast_in_dim3A_80 = vector.broadcast %broadcast_in_dim3A_79 : f32 to vector<16xf32>
      %broadcast_in_dim3A_81 = arith.constant 0.000000e+00 : f32
      %broadcast_in_dim3A_82 = vector.broadcast %broadcast_in_dim3A_81 : f32 to vector<16xf32>
      %broadcast_in_dim3A_83 = arith.constant 0.000000e+00 : f32
      %broadcast_in_dim3A_84 = vector.broadcast %broadcast_in_dim3A_83 : f32 to vector<16xf32>
      %scan3A_85 = arith.constant 0 : i32
      %scan3A_86 = arith.constant 128 : i32
      %scan3A_87 = arith.addi %scan3A_85, %scan3A_86 : i32
      %scan3A_88 = arith.constant 1 : i32
      %scan3A_89:4 = scf.for %scan3A_273 = %scan3A_85 to %scan3A_87 step %scan3A_88 iter_args(%scan3A_274 = %broadcast_in_dim3A_78, %scan3A_275 = %broadcast_in_dim3A_80, %scan3A_276 = %broadcast_in_dim3A_82, %scan3A_277 = %broadcast_in_dim3A_84) -> (vector<16xf32>, vector<16xf32>, vector<16xf32>, vector<16xf32>)  : i32 {
        %mul3A_278 = arith.constant 4 : i32
        %mul3A_279 = arith.muli %scan3A_273, %mul3A_278 : i32
        %add3A_280 = arith.constant 0 : i32
        %add3A_281 = arith.addi %mul3A_279, %add3A_280 : i32
        %mul3A_282 = arith.constant 16 : i32
        %mul3A_283 = arith.muli %add3A_281, %mul3A_282 : i32
        %get3A = arith.index_cast %mul3A_283 : i32 to index
        %get3A_284 = tpu.vector_load %arg5[%get3A] {strides = array<i32>} : memref<8192xf32, #tpu.memory_space<vmem>>, vector<16xf32>,
        %get3A_285 = arith.constant 0 : i32
        %get3A_286 = arith.index_cast %get3A_285 : i32 to index
        %get3A_287 = arith.index_cast %mul3A_283 : i32 to index
        %get3A_288 = tpu.vector_load %arg7[%get3A_286, %get3A_287] {strides = array<i32>} : memref<4x8192xi32, #tpu.memory_space<vmem>>, vector<16xi32>,
        %convert_element_type3A_289 = arith.sitofp %get3A_288 : vector<16xi32> to vector<16xf32>
        %mul3A_290 = arith.mulf %convert_element_type3A_289, %get3A_284 : vector<16xf32>
        %add3A_291 = arith.addf %scan3A_274, %mul3A_290 : vector<16xf32>
        %get3A_292 = arith.constant 1 : i32
        %get3A_293 = arith.index_cast %get3A_292 : i32 to index
        %get3A_294 = arith.index_cast %mul3A_283 : i32 to index
        %get3A_295 = tpu.vector_load %arg7[%get3A_293, %get3A_294] {strides = array<i32>} : memref<4x8192xi32, #tpu.memory_space<vmem>>, vector<16xi32>,
        %convert_element_type3A_296 = arith.sitofp %get3A_295 : vector<16xi32> to vector<16xf32>
        %mul3A_297 = arith.mulf %convert_element_type3A_296, %get3A_284 : vector<16xf32>
        %add3A_298 = arith.addf %scan3A_275, %mul3A_297 : vector<16xf32>
        %get3A_299 = arith.constant 2 : i32
        %get3A_300 = arith.index_cast %get3A_299 : i32 to index
        %get3A_301 = arith.index_cast %mul3A_283 : i32 to index
        %get3A_302 = tpu.vector_load %arg7[%get3A_300, %get3A_301] {strides = array<i32>} : memref<4x8192xi32, #tpu.memory_space<vmem>>, vector<16xi32>,
        %convert_element_type3A_303 = arith.sitofp %get3A_302 : vector<16xi32> to vector<16xf32>
        %mul3A_304 = arith.mulf %convert_element_type3A_303, %get3A_284 : vector<16xf32>
        %add3A_305 = arith.addf %scan3A_276, %mul3A_304 : vector<16xf32>
        %get3A_306 = arith.constant 3 : i32
        %get3A_307 = arith.index_cast %get3A_306 : i32 to index
        %get3A_308 = arith.index_cast %mul3A_283 : i32 to index
        %get3A_309 = tpu.vector_load %arg7[%get3A_307, %get3A_308] {strides = array<i32>} : memref<4x8192xi32, #tpu.memory_space<vmem>>, vector<16xi32>,
        %convert_element_type3A_310 = arith.sitofp %get3A_309 : vector<16xi32> to vector<16xf32>
        %mul3A_311 = arith.mulf %convert_element_type3A_310, %get3A_284 : vector<16xf32>
        %add3A_312 = arith.addf %scan3A_277, %mul3A_311 : vector<16xf32>
        %mul3A_313 = arith.constant 4 : i32
        %mul3A_314 = arith.muli %scan3A_273, %mul3A_313 : i32
        %add3A_315 = arith.constant 1 : i32
        %add3A_316 = arith.addi %mul3A_314, %add3A_315 : i32
        %mul3A_317 = arith.constant 16 : i32
        %mul3A_318 = arith.muli %add3A_316, %mul3A_317 : i32
        %get3A_319 = arith.index_cast %mul3A_318 : i32 to index
        %get3A_320 = tpu.vector_load %arg5[%get3A_319] {strides = array<i32>} : memref<8192xf32, #tpu.memory_space<vmem>>, vector<16xf32>,
        %get3A_321 = arith.constant 0 : i32
        %get3A_322 = arith.index_cast %get3A_321 : i32 to index
        %get3A_323 = arith.index_cast %mul3A_318 : i32 to index
        %get3A_324 = tpu.vector_load %arg7[%get3A_322, %get3A_323] {strides = array<i32>} : memref<4x8192xi32, #tpu.memory_space<vmem>>, vector<16xi32>,
        %convert_element_type3A_325 = arith.sitofp %get3A_324 : vector<16xi32> to vector<16xf32>
        %mul3A_326 = arith.mulf %convert_element_type3A_325, %get3A_320 : vector<16xf32>
        %add3A_327 = arith.addf %add3A_291, %mul3A_326 : vector<16xf32>
        %get3A_328 = arith.constant 1 : i32
        %get3A_329 = arith.index_cast %get3A_328 : i32 to index
        %get3A_330 = arith.index_cast %mul3A_318 : i32 to index
        %get3A_331 = tpu.vector_load %arg7[%get3A_329, %get3A_330] {strides = array<i32>} : memref<4x8192xi32, #tpu.memory_space<vmem>>, vector<16xi32>,
        %convert_element_type3A_332 = arith.sitofp %get3A_331 : vector<16xi32> to vector<16xf32>
        %mul3A_333 = arith.mulf %convert_element_type3A_332, %get3A_320 : vector<16xf32>
        %add3A_334 = arith.addf %add3A_298, %mul3A_333 : vector<16xf32>
        %get3A_335 = arith.constant 2 : i32
        %get3A_336 = arith.index_cast %get3A_335 : i32 to index
        %get3A_337 = arith.index_cast %mul3A_318 : i32 to index
        %get3A_338 = tpu.vector_load %arg7[%get3A_336, %get3A_337] {strides = array<i32>} : memref<4x8192xi32, #tpu.memory_space<vmem>>, vector<16xi32>,
        %convert_element_type3A_339 = arith.sitofp %get3A_338 : vector<16xi32> to vector<16xf32>
        %mul3A_340 = arith.mulf %convert_element_type3A_339, %get3A_320 : vector<16xf32>
        %add3A_341 = arith.addf %add3A_305, %mul3A_340 : vector<16xf32>
        %get3A_342 = arith.constant 3 : i32
        %get3A_343 = arith.index_cast %get3A_342 : i32 to index
        %get3A_344 = arith.index_cast %mul3A_318 : i32 to index
        %get3A_345 = tpu.vector_load %arg7[%get3A_343, %get3A_344] {strides = array<i32>} : memref<4x8192xi32, #tpu.memory_space<vmem>>, vector<16xi32>,
        %convert_element_type3A_346 = arith.sitofp %get3A_345 : vector<16xi32> to vector<16xf32>
        %mul3A_347 = arith.mulf %convert_element_type3A_346, %get3A_320 : vector<16xf32>
        %add3A_348 = arith.addf %add3A_312, %mul3A_347 : vector<16xf32>
        %mul3A_349 = arith.constant 4 : i32
        %mul3A_350 = arith.muli %scan3A_273, %mul3A_349 : i32
        %add3A_351 = arith.constant 2 : i32
        %add3A_352 = arith.addi %mul3A_350, %add3A_351 : i32
        %mul3A_353 = arith.constant 16 : i32
        %mul3A_354 = arith.muli %add3A_352, %mul3A_353 : i32
        %get3A_355 = arith.index_cast %mul3A_354 : i32 to index
        %get3A_356 = tpu.vector_load %arg5[%get3A_355] {strides = array<i32>} : memref<8192xf32, #tpu.memory_space<vmem>>, vector<16xf32>,
        %get3A_357 = arith.constant 0 : i32
        %get3A_358 = arith.index_cast %get3A_357 : i32 to index
        %get3A_359 = arith.index_cast %mul3A_354 : i32 to index
        %get3A_360 = tpu.vector_load %arg7[%get3A_358, %get3A_359] {strides = array<i32>} : memref<4x8192xi32, #tpu.memory_space<vmem>>, vector<16xi32>,
        %convert_element_type3A_361 = arith.sitofp %get3A_360 : vector<16xi32> to vector<16xf32>
        %mul3A_362 = arith.mulf %convert_element_type3A_361, %get3A_356 : vector<16xf32>
        %add3A_363 = arith.addf %add3A_327, %mul3A_362 : vector<16xf32>
        %get3A_364 = arith.constant 1 : i32
        %get3A_365 = arith.index_cast %get3A_364 : i32 to index
        %get3A_366 = arith.index_cast %mul3A_354 : i32 to index
        %get3A_367 = tpu.vector_load %arg7[%get3A_365, %get3A_366] {strides = array<i32>} : memref<4x8192xi32, #tpu.memory_space<vmem>>, vector<16xi32>,
        %convert_element_type3A_368 = arith.sitofp %get3A_367 : vector<16xi32> to vector<16xf32>
        %mul3A_369 = arith.mulf %convert_element_type3A_368, %get3A_356 : vector<16xf32>
        %add3A_370 = arith.addf %add3A_334, %mul3A_369 : vector<16xf32>
        %get3A_371 = arith.constant 2 : i32
        %get3A_372 = arith.index_cast %get3A_371 : i32 to index
        %get3A_373 = arith.index_cast %mul3A_354 : i32 to index
        %get3A_374 = tpu.vector_load %arg7[%get3A_372, %get3A_373] {strides = array<i32>} : memref<4x8192xi32, #tpu.memory_space<vmem>>, vector<16xi32>,
        %convert_element_type3A_375 = arith.sitofp %get3A_374 : vector<16xi32> to vector<16xf32>
        %mul3A_376 = arith.mulf %convert_element_type3A_375, %get3A_356 : vector<16xf32>
        %add3A_377 = arith.addf %add3A_341, %mul3A_376 : vector<16xf32>
        %get3A_378 = arith.constant 3 : i32
        %get3A_379 = arith.index_cast %get3A_378 : i32 to index
        %get3A_380 = arith.index_cast %mul3A_354 : i32 to index
        %get3A_381 = tpu.vector_load %arg7[%get3A_379, %get3A_380] {strides = array<i32>} : memref<4x8192xi32, #tpu.memory_space<vmem>>, vector<16xi32>,
        %convert_element_type3A_382 = arith.sitofp %get3A_381 : vector<16xi32> to vector<16xf32>
        %mul3A_383 = arith.mulf %convert_element_type3A_382, %get3A_356 : vector<16xf32>
        %add3A_384 = arith.addf %add3A_348, %mul3A_383 : vector<16xf32>
        %mul3A_385 = arith.constant 4 : i32
        %mul3A_386 = arith.muli %scan3A_273, %mul3A_385 : i32
        %add3A_387 = arith.constant 3 : i32
        %add3A_388 = arith.addi %mul3A_386, %add3A_387 : i32
        %mul3A_389 = arith.constant 16 : i32
        %mul3A_390 = arith.muli %add3A_388, %mul3A_389 : i32
        %get3A_391 = arith.index_cast %mul3A_390 : i32 to index
        %get3A_392 = tpu.vector_load %arg5[%get3A_391] {strides = array<i32>} : memref<8192xf32, #tpu.memory_space<vmem>>, vector<16xf32>,
        %get3A_393 = arith.constant 0 : i32
        %get3A_394 = arith.index_cast %get3A_393 : i32 to index
        %get3A_395 = arith.index_cast %mul3A_390 : i32 to index
        %get3A_396 = tpu.vector_load %arg7[%get3A_394, %get3A_395] {strides = array<i32>} : memref<4x8192xi32, #tpu.memory_space<vmem>>, vector<16xi32>,
        %convert_element_type3A_397 = arith.sitofp %get3A_396 : vector<16xi32> to vector<16xf32>
        %mul3A_398 = arith.mulf %convert_element_type3A_397, %get3A_392 : vector<16xf32>
        %add3A_399 = arith.addf %add3A_363, %mul3A_398 : vector<16xf32>
        %get3A_400 = arith.constant 1 : i32
        %get3A_401 = arith.index_cast %get3A_400 : i32 to index
        %get3A_402 = arith.index_cast %mul3A_390 : i32 to index
        %get3A_403 = tpu.vector_load %arg7[%get3A_401, %get3A_402] {strides = array<i32>} : memref<4x8192xi32, #tpu.memory_space<vmem>>, vector<16xi32>,
        %convert_element_type3A_404 = arith.sitofp %get3A_403 : vector<16xi32> to vector<16xf32>
        %mul3A_405 = arith.mulf %convert_element_type3A_404, %get3A_392 : vector<16xf32>
        %add3A_406 = arith.addf %add3A_370, %mul3A_405 : vector<16xf32>
        %get3A_407 = arith.constant 2 : i32
        %get3A_408 = arith.index_cast %get3A_407 : i32 to index
        %get3A_409 = arith.index_cast %mul3A_390 : i32 to index
        %get3A_410 = tpu.vector_load %arg7[%get3A_408, %get3A_409] {strides = array<i32>} : memref<4x8192xi32, #tpu.memory_space<vmem>>, vector<16xi32>,
        %convert_element_type3A_411 = arith.sitofp %get3A_410 : vector<16xi32> to vector<16xf32>
        %mul3A_412 = arith.mulf %convert_element_type3A_411, %get3A_392 : vector<16xf32>
        %add3A_413 = arith.addf %add3A_377, %mul3A_412 : vector<16xf32>
        %get3A_414 = arith.constant 3 : i32
        %get3A_415 = arith.index_cast %get3A_414 : i32 to index
        %get3A_416 = arith.index_cast %mul3A_390 : i32 to index
        %get3A_417 = tpu.vector_load %arg7[%get3A_415, %get3A_416] {strides = array<i32>} : memref<4x8192xi32, #tpu.memory_space<vmem>>, vector<16xi32>,
        %convert_element_type3A_418 = arith.sitofp %get3A_417 : vector<16xi32> to vector<16xf32>
        %mul3A_419 = arith.mulf %convert_element_type3A_418, %get3A_392 : vector<16xf32>
        %add3A_420 = arith.addf %add3A_384, %mul3A_419 : vector<16xf32>
        scf.yield %add3A_399, %add3A_406, %add3A_413, %add3A_420 : vector<16xf32>, vector<16xf32>, vector<16xf32>, vector<16xf32>
      }
      %scan3A_90 = arith.constant 128 : i32
      %swap3A_91 = arith.constant 4 : i32
      %swap3A_92 = arith.index_cast %swap3A_91 : i32 to index
      %swap3A_93 = arith.constant 0 : index
      %swap3A_94 = tpu.vector_load %arg9[%swap3A_92, %swap3A_93] {strides = array<i32>} : memref<16x16xf32, #tpu.memory_space<vmem>>, vector<16xf32>,
      tpu.vector_store %arg9[%swap3A_92, %swap3A_93], %scan3A_89#0 {strides = array<i32>} : memref<16x16xf32, #tpu.memory_space<vmem>>, vector<16xf32>,
      %swap3A_95 = arith.constant 5 : i32
      %swap3A_96 = arith.index_cast %swap3A_95 : i32 to index
      %swap3A_97 = arith.constant 0 : index
      %swap3A_98 = tpu.vector_load %arg9[%swap3A_96, %swap3A_97] {strides = array<i32>} : memref<16x16xf32, #tpu.memory_space<vmem>>, vector<16xf32>,
      tpu.vector_store %arg9[%swap3A_96, %swap3A_97], %scan3A_89#1 {strides = array<i32>} : memref<16x16xf32, #tpu.memory_space<vmem>>, vector<16xf32>,
      %swap3A_99 = arith.constant 6 : i32
      %swap3A_100 = arith.index_cast %swap3A_99 : i32 to index
      %swap3A_101 = arith.constant 0 : index
      %swap3A_102 = tpu.vector_load %arg9[%swap3A_100, %swap3A_101] {strides = array<i32>} : memref<16x16xf32, #tpu.memory_space<vmem>>, vector<16xf32>,
      tpu.vector_store %arg9[%swap3A_100, %swap3A_101], %scan3A_89#2 {strides = array<i32>} : memref<16x16xf32, #tpu.memory_space<vmem>>, vector<16xf32>,
      %swap3A_103 = arith.constant 7 : i32
      %swap3A_104 = arith.index_cast %swap3A_103 : i32 to index
      %swap3A_105 = arith.constant 0 : index
      %swap3A_106 = tpu.vector_load %arg9[%swap3A_104, %swap3A_105] {strides = array<i32>} : memref<16x16xf32, #tpu.memory_space<vmem>>, vector<16xf32>,
      tpu.vector_store %arg9[%swap3A_104, %swap3A_105], %scan3A_89#3 {strides = array<i32>} : memref<16x16xf32, #tpu.memory_space<vmem>>, vector<16xf32>,
      %mul3A_107 = arith.constant 4 : i32
      %mul3A_108 = arith.muli %scan3A_15, %mul3A_107 : i32
      %add3A_109 = arith.constant 2 : i32
      %add3A_110 = arith.addi %mul3A_108, %add3A_109 : i32
      %mul3A_111 = arith.constant 4 : i32
      %mul3A_112 = arith.muli %add3A_110, %mul3A_111 : i32
      %add3A_113 = arith.addi %add3A_4, %mul3A_112 : i32
      %dma_wait3A_114 = arith.constant 0 : i32
      %dma_wait3A_115 = tpu.memref_slice %arg2[%add3A_113, %dma_wait3A_114] : memref<8192x8192xi32, #tpu.memory_space<hbm>> -> memref<4x8192xi32, #tpu.memory_space<hbm>>
      %dma_wait3A_116 = arith.constant 0 : i32
      %dma_wait3A_117 = tpu.memref_slice %arg2[%add3A_113, %dma_wait3A_116] : memref<8192x8192xi32, #tpu.memory_space<hbm>> -> memref<4x8192xi32, #tpu.memory_space<hbm>>
      tpu.wait_dma2 semaphore(%arg10 : memref<!tpu.dma_semaphore, #tpu.memory_space<semaphore_mem>>) src(%dma_wait3A_117 : memref<4x8192xi32, #tpu.memory_space<hbm>>) dst(%arg6 : memref<4x8192xi32, #tpu.memory_space<vmem>>)
      %add3A_118 = arith.constant 1 : i32
      %add3A_119 = arith.addi %add3A_110, %add3A_118 : i32
      %lt3A_120 = arith.constant 16 : i32
      %lt3A_121 = arith.cmpi slt, %add3A_119, %lt3A_120 : i32
      %convert_element_type3A_122 = arith.extui %lt3A_121 : i1 to i32
      %cond3A_123 = arith.constant 0 : i32
      %cond3A_124 = arith.cmpi ne, %convert_element_type3A_122, %cond3A_123 : i32
      scf.if %cond3A_124 {
        %add3A_273 = arith.constant 4 : i32
        %add3A_274 = arith.addi %add3A_113, %add3A_273 : i32
        %dma_start3A_275 = arith.constant 0 : i32
        %dma_start3A_276 = tpu.memref_slice %arg2[%add3A_274, %dma_start3A_275] : memref<8192x8192xi32, #tpu.memory_space<hbm>> -> memref<4x8192xi32, #tpu.memory_space<hbm>>
        %dma_start3A_277 = arith.constant 0 : i32
        %dma_start3A_278 = tpu.memref_slice %arg2[%add3A_274, %dma_start3A_277] : memref<8192x8192xi32, #tpu.memory_space<hbm>> -> memref<4x8192xi32, #tpu.memory_space<hbm>>
        tpu.enqueue_dma source(%dma_start3A_278 : memref<4x8192xi32, #tpu.memory_space<hbm>>) target(%arg7 : memref<4x8192xi32, #tpu.memory_space<vmem>>) target_semaphore(%arg11 : memref<!tpu.dma_semaphore, #tpu.memory_space<semaphore_mem>>)
      } else {
      }
      %broadcast_in_dim3A_125 = arith.constant 0.000000e+00 : f32
      %broadcast_in_dim3A_126 = vector.broadcast %broadcast_in_dim3A_125 : f32 to vector<16xf32>
      %broadcast_in_dim3A_127 = arith.constant 0.000000e+00 : f32
      %broadcast_in_dim3A_128 = vector.broadcast %broadcast_in_dim3A_127 : f32 to vector<16xf32>
      %broadcast_in_dim3A_129 = arith.constant 0.000000e+00 : f32
      %broadcast_in_dim3A_130 = vector.broadcast %broadcast_in_dim3A_129 : f32 to vector<16xf32>
      %broadcast_in_dim3A_131 = arith.constant 0.000000e+00 : f32
      %broadcast_in_dim3A_132 = vector.broadcast %broadcast_in_dim3A_131 : f32 to vector<16xf32>
      %scan3A_133 = arith.constant 0 : i32
      %scan3A_134 = arith.constant 128 : i32
      %scan3A_135 = arith.addi %scan3A_133, %scan3A_134 : i32
      %scan3A_136 = arith.constant 1 : i32
      %scan3A_137:4 = scf.for %scan3A_273 = %scan3A_133 to %scan3A_135 step %scan3A_136 iter_args(%scan3A_274 = %broadcast_in_dim3A_126, %scan3A_275 = %broadcast_in_dim3A_128, %scan3A_276 = %broadcast_in_dim3A_130, %scan3A_277 = %broadcast_in_dim3A_132) -> (vector<16xf32>, vector<16xf32>, vector<16xf32>, vector<16xf32>)  : i32 {
        %mul3A_278 = arith.constant 4 : i32
        %mul3A_279 = arith.muli %scan3A_273, %mul3A_278 : i32
        %add3A_280 = arith.constant 0 : i32
        %add3A_281 = arith.addi %mul3A_279, %add3A_280 : i32
        %mul3A_282 = arith.constant 16 : i32
        %mul3A_283 = arith.muli %add3A_281, %mul3A_282 : i32
        %get3A = arith.index_cast %mul3A_283 : i32 to index
        %get3A_284 = tpu.vector_load %arg5[%get3A] {strides = array<i32>} : memref<8192xf32, #tpu.memory_space<vmem>>, vector<16xf32>,
        %get3A_285 = arith.constant 0 : i32
        %get3A_286 = arith.index_cast %get3A_285 : i32 to index
        %get3A_287 = arith.index_cast %mul3A_283 : i32 to index
        %get3A_288 = tpu.vector_load %arg6[%get3A_286, %get3A_287] {strides = array<i32>} : memref<4x8192xi32, #tpu.memory_space<vmem>>, vector<16xi32>,
        %convert_element_type3A_289 = arith.sitofp %get3A_288 : vector<16xi32> to vector<16xf32>
        %mul3A_290 = arith.mulf %convert_element_type3A_289, %get3A_284 : vector<16xf32>
        %add3A_291 = arith.addf %scan3A_274, %mul3A_290 : vector<16xf32>
        %get3A_292 = arith.constant 1 : i32
        %get3A_293 = arith.index_cast %get3A_292 : i32 to index
        %get3A_294 = arith.index_cast %mul3A_283 : i32 to index
        %get3A_295 = tpu.vector_load %arg6[%get3A_293, %get3A_294] {strides = array<i32>} : memref<4x8192xi32, #tpu.memory_space<vmem>>, vector<16xi32>,
        %convert_element_type3A_296 = arith.sitofp %get3A_295 : vector<16xi32> to vector<16xf32>
        %mul3A_297 = arith.mulf %convert_element_type3A_296, %get3A_284 : vector<16xf32>
        %add3A_298 = arith.addf %scan3A_275, %mul3A_297 : vector<16xf32>
        %get3A_299 = arith.constant 2 : i32
        %get3A_300 = arith.index_cast %get3A_299 : i32 to index
        %get3A_301 = arith.index_cast %mul3A_283 : i32 to index
        %get3A_302 = tpu.vector_load %arg6[%get3A_300, %get3A_301] {strides = array<i32>} : memref<4x8192xi32, #tpu.memory_space<vmem>>, vector<16xi32>,
        %convert_element_type3A_303 = arith.sitofp %get3A_302 : vector<16xi32> to vector<16xf32>
        %mul3A_304 = arith.mulf %convert_element_type3A_303, %get3A_284 : vector<16xf32>
        %add3A_305 = arith.addf %scan3A_276, %mul3A_304 : vector<16xf32>
        %get3A_306 = arith.constant 3 : i32
        %get3A_307 = arith.index_cast %get3A_306 : i32 to index
        %get3A_308 = arith.index_cast %mul3A_283 : i32 to index
        %get3A_309 = tpu.vector_load %arg6[%get3A_307, %get3A_308] {strides = array<i32>} : memref<4x8192xi32, #tpu.memory_space<vmem>>, vector<16xi32>,
        %convert_element_type3A_310 = arith.sitofp %get3A_309 : vector<16xi32> to vector<16xf32>
        %mul3A_311 = arith.mulf %convert_element_type3A_310, %get3A_284 : vector<16xf32>
        %add3A_312 = arith.addf %scan3A_277, %mul3A_311 : vector<16xf32>
        %mul3A_313 = arith.constant 4 : i32
        %mul3A_314 = arith.muli %scan3A_273, %mul3A_313 : i32
        %add3A_315 = arith.constant 1 : i32
        %add3A_316 = arith.addi %mul3A_314, %add3A_315 : i32
        %mul3A_317 = arith.constant 16 : i32
        %mul3A_318 = arith.muli %add3A_316, %mul3A_317 : i32
        %get3A_319 = arith.index_cast %mul3A_318 : i32 to index
        %get3A_320 = tpu.vector_load %arg5[%get3A_319] {strides = array<i32>} : memref<8192xf32, #tpu.memory_space<vmem>>, vector<16xf32>,
        %get3A_321 = arith.constant 0 : i32
        %get3A_322 = arith.index_cast %get3A_321 : i32 to index
        %get3A_323 = arith.index_cast %mul3A_318 : i32 to index
        %get3A_324 = tpu.vector_load %arg6[%get3A_322, %get3A_323] {strides = array<i32>} : memref<4x8192xi32, #tpu.memory_space<vmem>>, vector<16xi32>,
        %convert_element_type3A_325 = arith.sitofp %get3A_324 : vector<16xi32> to vector<16xf32>
        %mul3A_326 = arith.mulf %convert_element_type3A_325, %get3A_320 : vector<16xf32>
        %add3A_327 = arith.addf %add3A_291, %mul3A_326 : vector<16xf32>
        %get3A_328 = arith.constant 1 : i32
        %get3A_329 = arith.index_cast %get3A_328 : i32 to index
        %get3A_330 = arith.index_cast %mul3A_318 : i32 to index
        %get3A_331 = tpu.vector_load %arg6[%get3A_329, %get3A_330] {strides = array<i32>} : memref<4x8192xi32, #tpu.memory_space<vmem>>, vector<16xi32>,
        %convert_element_type3A_332 = arith.sitofp %get3A_331 : vector<16xi32> to vector<16xf32>
        %mul3A_333 = arith.mulf %convert_element_type3A_332, %get3A_320 : vector<16xf32>
        %add3A_334 = arith.addf %add3A_298, %mul3A_333 : vector<16xf32>
        %get3A_335 = arith.constant 2 : i32
        %get3A_336 = arith.index_cast %get3A_335 : i32 to index
        %get3A_337 = arith.index_cast %mul3A_318 : i32 to index
        %get3A_338 = tpu.vector_load %arg6[%get3A_336, %get3A_337] {strides = array<i32>} : memref<4x8192xi32, #tpu.memory_space<vmem>>, vector<16xi32>,
        %convert_element_type3A_339 = arith.sitofp %get3A_338 : vector<16xi32> to vector<16xf32>
        %mul3A_340 = arith.mulf %convert_element_type3A_339, %get3A_320 : vector<16xf32>
        %add3A_341 = arith.addf %add3A_305, %mul3A_340 : vector<16xf32>
        %get3A_342 = arith.constant 3 : i32
        %get3A_343 = arith.index_cast %get3A_342 : i32 to index
        %get3A_344 = arith.index_cast %mul3A_318 : i32 to index
        %get3A_345 = tpu.vector_load %arg6[%get3A_343, %get3A_344] {strides = array<i32>} : memref<4x8192xi32, #tpu.memory_space<vmem>>, vector<16xi32>,
        %convert_element_type3A_346 = arith.sitofp %get3A_345 : vector<16xi32> to vector<16xf32>
        %mul3A_347 = arith.mulf %convert_element_type3A_346, %get3A_320 : vector<16xf32>
        %add3A_348 = arith.addf %add3A_312, %mul3A_347 : vector<16xf32>
        %mul3A_349 = arith.constant 4 : i32
        %mul3A_350 = arith.muli %scan3A_273, %mul3A_349 : i32
        %add3A_351 = arith.constant 2 : i32
        %add3A_352 = arith.addi %mul3A_350, %add3A_351 : i32
        %mul3A_353 = arith.constant 16 : i32
        %mul3A_354 = arith.muli %add3A_352, %mul3A_353 : i32
        %get3A_355 = arith.index_cast %mul3A_354 : i32 to index
        %get3A_356 = tpu.vector_load %arg5[%get3A_355] {strides = array<i32>} : memref<8192xf32, #tpu.memory_space<vmem>>, vector<16xf32>,
        %get3A_357 = arith.constant 0 : i32
        %get3A_358 = arith.index_cast %get3A_357 : i32 to index
        %get3A_359 = arith.index_cast %mul3A_354 : i32 to index
        %get3A_360 = tpu.vector_load %arg6[%get3A_358, %get3A_359] {strides = array<i32>} : memref<4x8192xi32, #tpu.memory_space<vmem>>, vector<16xi32>,
        %convert_element_type3A_361 = arith.sitofp %get3A_360 : vector<16xi32> to vector<16xf32>
        %mul3A_362 = arith.mulf %convert_element_type3A_361, %get3A_356 : vector<16xf32>
        %add3A_363 = arith.addf %add3A_327, %mul3A_362 : vector<16xf32>
        %get3A_364 = arith.constant 1 : i32
        %get3A_365 = arith.index_cast %get3A_364 : i32 to index
        %get3A_366 = arith.index_cast %mul3A_354 : i32 to index
        %get3A_367 = tpu.vector_load %arg6[%get3A_365, %get3A_366] {strides = array<i32>} : memref<4x8192xi32, #tpu.memory_space<vmem>>, vector<16xi32>,
        %convert_element_type3A_368 = arith.sitofp %get3A_367 : vector<16xi32> to vector<16xf32>
        %mul3A_369 = arith.mulf %convert_element_type3A_368, %get3A_356 : vector<16xf32>
        %add3A_370 = arith.addf %add3A_334, %mul3A_369 : vector<16xf32>
        %get3A_371 = arith.constant 2 : i32
        %get3A_372 = arith.index_cast %get3A_371 : i32 to index
        %get3A_373 = arith.index_cast %mul3A_354 : i32 to index
        %get3A_374 = tpu.vector_load %arg6[%get3A_372, %get3A_373] {strides = array<i32>} : memref<4x8192xi32, #tpu.memory_space<vmem>>, vector<16xi32>,
        %convert_element_type3A_375 = arith.sitofp %get3A_374 : vector<16xi32> to vector<16xf32>
        %mul3A_376 = arith.mulf %convert_element_type3A_375, %get3A_356 : vector<16xf32>
        %add3A_377 = arith.addf %add3A_341, %mul3A_376 : vector<16xf32>
        %get3A_378 = arith.constant 3 : i32
        %get3A_379 = arith.index_cast %get3A_378 : i32 to index
        %get3A_380 = arith.index_cast %mul3A_354 : i32 to index
        %get3A_381 = tpu.vector_load %arg6[%get3A_379, %get3A_380] {strides = array<i32>} : memref<4x8192xi32, #tpu.memory_space<vmem>>, vector<16xi32>,
        %convert_element_type3A_382 = arith.sitofp %get3A_381 : vector<16xi32> to vector<16xf32>
        %mul3A_383 = arith.mulf %convert_element_type3A_382, %get3A_356 : vector<16xf32>
        %add3A_384 = arith.addf %add3A_348, %mul3A_383 : vector<16xf32>
        %mul3A_385 = arith.constant 4 : i32
        %mul3A_386 = arith.muli %scan3A_273, %mul3A_385 : i32
        %add3A_387 = arith.constant 3 : i32
        %add3A_388 = arith.addi %mul3A_386, %add3A_387 : i32
        %mul3A_389 = arith.constant 16 : i32
        %mul3A_390 = arith.muli %add3A_388, %mul3A_389 : i32
        %get3A_391 = arith.index_cast %mul3A_390 : i32 to index
        %get3A_392 = tpu.vector_load %arg5[%get3A_391] {strides = array<i32>} : memref<8192xf32, #tpu.memory_space<vmem>>, vector<16xf32>,
        %get3A_393 = arith.constant 0 : i32
        %get3A_394 = arith.index_cast %get3A_393 : i32 to index
        %get3A_395 = arith.index_cast %mul3A_390 : i32 to index
        %get3A_396 = tpu.vector_load %arg6[%get3A_394, %get3A_395] {strides = array<i32>} : memref<4x8192xi32, #tpu.memory_space<vmem>>, vector<16xi32>,
        %convert_element_type3A_397 = arith.sitofp %get3A_396 : vector<16xi32> to vector<16xf32>
        %mul3A_398 = arith.mulf %convert_element_type3A_397, %get3A_392 : vector<16xf32>
        %add3A_399 = arith.addf %add3A_363, %mul3A_398 : vector<16xf32>
        %get3A_400 = arith.constant 1 : i32
        %get3A_401 = arith.index_cast %get3A_400 : i32 to index
        %get3A_402 = arith.index_cast %mul3A_390 : i32 to index
        %get3A_403 = tpu.vector_load %arg6[%get3A_401, %get3A_402] {strides = array<i32>} : memref<4x8192xi32, #tpu.memory_space<vmem>>, vector<16xi32>,
        %convert_element_type3A_404 = arith.sitofp %get3A_403 : vector<16xi32> to vector<16xf32>
        %mul3A_405 = arith.mulf %convert_element_type3A_404, %get3A_392 : vector<16xf32>
        %add3A_406 = arith.addf %add3A_370, %mul3A_405 : vector<16xf32>
        %get3A_407 = arith.constant 2 : i32
        %get3A_408 = arith.index_cast %get3A_407 : i32 to index
        %get3A_409 = arith.index_cast %mul3A_390 : i32 to index
        %get3A_410 = tpu.vector_load %arg6[%get3A_408, %get3A_409] {strides = array<i32>} : memref<4x8192xi32, #tpu.memory_space<vmem>>, vector<16xi32>,
        %convert_element_type3A_411 = arith.sitofp %get3A_410 : vector<16xi32> to vector<16xf32>
        %mul3A_412 = arith.mulf %convert_element_type3A_411, %get3A_392 : vector<16xf32>
        %add3A_413 = arith.addf %add3A_377, %mul3A_412 : vector<16xf32>
        %get3A_414 = arith.constant 3 : i32
        %get3A_415 = arith.index_cast %get3A_414 : i32 to index
        %get3A_416 = arith.index_cast %mul3A_390 : i32 to index
        %get3A_417 = tpu.vector_load %arg6[%get3A_415, %get3A_416] {strides = array<i32>} : memref<4x8192xi32, #tpu.memory_space<vmem>>, vector<16xi32>,
        %convert_element_type3A_418 = arith.sitofp %get3A_417 : vector<16xi32> to vector<16xf32>
        %mul3A_419 = arith.mulf %convert_element_type3A_418, %get3A_392 : vector<16xf32>
        %add3A_420 = arith.addf %add3A_384, %mul3A_419 : vector<16xf32>
        scf.yield %add3A_399, %add3A_406, %add3A_413, %add3A_420 : vector<16xf32>, vector<16xf32>, vector<16xf32>, vector<16xf32>
      }
      %scan3A_138 = arith.constant 128 : i32
      %swap3A_139 = arith.constant 8 : i32
      %swap3A_140 = arith.index_cast %swap3A_139 : i32 to index
      %swap3A_141 = arith.constant 0 : index
      %swap3A_142 = tpu.vector_load %arg9[%swap3A_140, %swap3A_141] {strides = array<i32>} : memref<16x16xf32, #tpu.memory_space<vmem>>, vector<16xf32>,
      tpu.vector_store %arg9[%swap3A_140, %swap3A_141], %scan3A_137#0 {strides = array<i32>} : memref<16x16xf32, #tpu.memory_space<vmem>>, vector<16xf32>,
      %swap3A_143 = arith.constant 9 : i32
      %swap3A_144 = arith.index_cast %swap3A_143 : i32 to index
      %swap3A_145 = arith.constant 0 : index
      %swap3A_146 = tpu.vector_load %arg9[%swap3A_144, %swap3A_145] {strides = array<i32>} : memref<16x16xf32, #tpu.memory_space<vmem>>, vector<16xf32>,
      tpu.vector_store %arg9[%swap3A_144, %swap3A_145], %scan3A_137#1 {strides = array<i32>} : memref<16x16xf32, #tpu.memory_space<vmem>>, vector<16xf32>,
      %swap3A_147 = arith.constant 10 : i32
      %swap3A_148 = arith.index_cast %swap3A_147 : i32 to index
      %swap3A_149 = arith.constant 0 : index
      %swap3A_150 = tpu.vector_load %arg9[%swap3A_148, %swap3A_149] {strides = array<i32>} : memref<16x16xf32, #tpu.memory_space<vmem>>, vector<16xf32>,
      tpu.vector_store %arg9[%swap3A_148, %swap3A_149], %scan3A_137#2 {strides = array<i32>} : memref<16x16xf32, #tpu.memory_space<vmem>>, vector<16xf32>,
      %swap3A_151 = arith.constant 11 : i32
      %swap3A_152 = arith.index_cast %swap3A_151 : i32 to index
      %swap3A_153 = arith.constant 0 : index
      %swap3A_154 = tpu.vector_load %arg9[%swap3A_152, %swap3A_153] {strides = array<i32>} : memref<16x16xf32, #tpu.memory_space<vmem>>, vector<16xf32>,
      tpu.vector_store %arg9[%swap3A_152, %swap3A_153], %scan3A_137#3 {strides = array<i32>} : memref<16x16xf32, #tpu.memory_space<vmem>>, vector<16xf32>,
      %mul3A_155 = arith.constant 4 : i32
      %mul3A_156 = arith.muli %scan3A_15, %mul3A_155 : i32
      %add3A_157 = arith.constant 3 : i32
      %add3A_158 = arith.addi %mul3A_156, %add3A_157 : i32
      %mul3A_159 = arith.constant 4 : i32
      %mul3A_160 = arith.muli %add3A_158, %mul3A_159 : i32
      %add3A_161 = arith.addi %add3A_4, %mul3A_160 : i32
      %dma_wait3A_162 = arith.constant 0 : i32
      %dma_wait3A_163 = tpu.memref_slice %arg2[%add3A_161, %dma_wait3A_162] : memref<8192x8192xi32, #tpu.memory_space<hbm>> -> memref<4x8192xi32, #tpu.memory_space<hbm>>
      %dma_wait3A_164 = arith.constant 0 : i32
      %dma_wait3A_165 = tpu.memref_slice %arg2[%add3A_161, %dma_wait3A_164] : memref<8192x8192xi32, #tpu.memory_space<hbm>> -> memref<4x8192xi32, #tpu.memory_space<hbm>>
      tpu.wait_dma2 semaphore(%arg11 : memref<!tpu.dma_semaphore, #tpu.memory_space<semaphore_mem>>) src(%dma_wait3A_165 : memref<4x8192xi32, #tpu.memory_space<hbm>>) dst(%arg7 : memref<4x8192xi32, #tpu.memory_space<vmem>>)
      %add3A_166 = arith.constant 1 : i32
      %add3A_167 = arith.addi %add3A_158, %add3A_166 : i32
      %lt3A_168 = arith.constant 16 : i32
      %lt3A_169 = arith.cmpi slt, %add3A_167, %lt3A_168 : i32
      %convert_element_type3A_170 = arith.extui %lt3A_169 : i1 to i32
      %cond3A_171 = arith.constant 0 : i32
      %cond3A_172 = arith.cmpi ne, %convert_element_type3A_170, %cond3A_171 : i32
      scf.if %cond3A_172 {
        %add3A_273 = arith.constant 4 : i32
        %add3A_274 = arith.addi %add3A_161, %add3A_273 : i32
        %dma_start3A_275 = arith.constant 0 : i32
        %dma_start3A_276 = tpu.memref_slice %arg2[%add3A_274, %dma_start3A_275] : memref<8192x8192xi32, #tpu.memory_space<hbm>> -> memref<4x8192xi32, #tpu.memory_space<hbm>>
        %dma_start3A_277 = arith.constant 0 : i32
        %dma_start3A_278 = tpu.memref_slice %arg2[%add3A_274, %dma_start3A_277] : memref<8192x8192xi32, #tpu.memory_space<hbm>> -> memref<4x8192xi32, #tpu.memory_space<hbm>>
        tpu.enqueue_dma source(%dma_start3A_278 : memref<4x8192xi32, #tpu.memory_space<hbm>>) target(%arg6 : memref<4x8192xi32, #tpu.memory_space<vmem>>) target_semaphore(%arg10 : memref<!tpu.dma_semaphore, #tpu.memory_space<semaphore_mem>>)
      } else {
      }
      %broadcast_in_dim3A_173 = arith.constant 0.000000e+00 : f32
      %broadcast_in_dim3A_174 = vector.broadcast %broadcast_in_dim3A_173 : f32 to vector<16xf32>
      %broadcast_in_dim3A_175 = arith.constant 0.000000e+00 : f32
      %broadcast_in_dim3A_176 = vector.broadcast %broadcast_in_dim3A_175 : f32 to vector<16xf32>
      %broadcast_in_dim3A_177 = arith.constant 0.000000e+00 : f32
      %broadcast_in_dim3A_178 = vector.broadcast %broadcast_in_dim3A_177 : f32 to vector<16xf32>
      %broadcast_in_dim3A_179 = arith.constant 0.000000e+00 : f32
      %broadcast_in_dim3A_180 = vector.broadcast %broadcast_in_dim3A_179 : f32 to vector<16xf32>
      %scan3A_181 = arith.constant 0 : i32
      %scan3A_182 = arith.constant 128 : i32
      %scan3A_183 = arith.addi %scan3A_181, %scan3A_182 : i32
      %scan3A_184 = arith.constant 1 : i32
      %scan3A_185:4 = scf.for %scan3A_273 = %scan3A_181 to %scan3A_183 step %scan3A_184 iter_args(%scan3A_274 = %broadcast_in_dim3A_174, %scan3A_275 = %broadcast_in_dim3A_176, %scan3A_276 = %broadcast_in_dim3A_178, %scan3A_277 = %broadcast_in_dim3A_180) -> (vector<16xf32>, vector<16xf32>, vector<16xf32>, vector<16xf32>)  : i32 {
        %mul3A_278 = arith.constant 4 : i32
        %mul3A_279 = arith.muli %scan3A_273, %mul3A_278 : i32
        %add3A_280 = arith.constant 0 : i32
        %add3A_281 = arith.addi %mul3A_279, %add3A_280 : i32
        %mul3A_282 = arith.constant 16 : i32
        %mul3A_283 = arith.muli %add3A_281, %mul3A_282 : i32
        %get3A = arith.index_cast %mul3A_283 : i32 to index
        %get3A_284 = tpu.vector_load %arg5[%get3A] {strides = array<i32>} : memref<8192xf32, #tpu.memory_space<vmem>>, vector<16xf32>,
        %get3A_285 = arith.constant 0 : i32
        %get3A_286 = arith.index_cast %get3A_285 : i32 to index
        %get3A_287 = arith.index_cast %mul3A_283 : i32 to index
        %get3A_288 = tpu.vector_load %arg7[%get3A_286, %get3A_287] {strides = array<i32>} : memref<4x8192xi32, #tpu.memory_space<vmem>>, vector<16xi32>,
        %convert_element_type3A_289 = arith.sitofp %get3A_288 : vector<16xi32> to vector<16xf32>
        %mul3A_290 = arith.mulf %convert_element_type3A_289, %get3A_284 : vector<16xf32>
        %add3A_291 = arith.addf %scan3A_274, %mul3A_290 : vector<16xf32>
        %get3A_292 = arith.constant 1 : i32
        %get3A_293 = arith.index_cast %get3A_292 : i32 to index
        %get3A_294 = arith.index_cast %mul3A_283 : i32 to index
        %get3A_295 = tpu.vector_load %arg7[%get3A_293, %get3A_294] {strides = array<i32>} : memref<4x8192xi32, #tpu.memory_space<vmem>>, vector<16xi32>,
        %convert_element_type3A_296 = arith.sitofp %get3A_295 : vector<16xi32> to vector<16xf32>
        %mul3A_297 = arith.mulf %convert_element_type3A_296, %get3A_284 : vector<16xf32>
        %add3A_298 = arith.addf %scan3A_275, %mul3A_297 : vector<16xf32>
        %get3A_299 = arith.constant 2 : i32
        %get3A_300 = arith.index_cast %get3A_299 : i32 to index
        %get3A_301 = arith.index_cast %mul3A_283 : i32 to index
        %get3A_302 = tpu.vector_load %arg7[%get3A_300, %get3A_301] {strides = array<i32>} : memref<4x8192xi32, #tpu.memory_space<vmem>>, vector<16xi32>,
        %convert_element_type3A_303 = arith.sitofp %get3A_302 : vector<16xi32> to vector<16xf32>
        %mul3A_304 = arith.mulf %convert_element_type3A_303, %get3A_284 : vector<16xf32>
        %add3A_305 = arith.addf %scan3A_276, %mul3A_304 : vector<16xf32>
        %get3A_306 = arith.constant 3 : i32
        %get3A_307 = arith.index_cast %get3A_306 : i32 to index
        %get3A_308 = arith.index_cast %mul3A_283 : i32 to index
        %get3A_309 = tpu.vector_load %arg7[%get3A_307, %get3A_308] {strides = array<i32>} : memref<4x8192xi32, #tpu.memory_space<vmem>>, vector<16xi32>,
        %convert_element_type3A_310 = arith.sitofp %get3A_309 : vector<16xi32> to vector<16xf32>
        %mul3A_311 = arith.mulf %convert_element_type3A_310, %get3A_284 : vector<16xf32>
        %add3A_312 = arith.addf %scan3A_277, %mul3A_311 : vector<16xf32>
        %mul3A_313 = arith.constant 4 : i32
        %mul3A_314 = arith.muli %scan3A_273, %mul3A_313 : i32
        %add3A_315 = arith.constant 1 : i32
        %add3A_316 = arith.addi %mul3A_314, %add3A_315 : i32
        %mul3A_317 = arith.constant 16 : i32
        %mul3A_318 = arith.muli %add3A_316, %mul3A_317 : i32
        %get3A_319 = arith.index_cast %mul3A_318 : i32 to index
        %get3A_320 = tpu.vector_load %arg5[%get3A_319] {strides = array<i32>} : memref<8192xf32, #tpu.memory_space<vmem>>, vector<16xf32>,
        %get3A_321 = arith.constant 0 : i32
        %get3A_322 = arith.index_cast %get3A_321 : i32 to index
        %get3A_323 = arith.index_cast %mul3A_318 : i32 to index
        %get3A_324 = tpu.vector_load %arg7[%get3A_322, %get3A_323] {strides = array<i32>} : memref<4x8192xi32, #tpu.memory_space<vmem>>, vector<16xi32>,
        %convert_element_type3A_325 = arith.sitofp %get3A_324 : vector<16xi32> to vector<16xf32>
        %mul3A_326 = arith.mulf %convert_element_type3A_325, %get3A_320 : vector<16xf32>
        %add3A_327 = arith.addf %add3A_291, %mul3A_326 : vector<16xf32>
        %get3A_328 = arith.constant 1 : i32
        %get3A_329 = arith.index_cast %get3A_328 : i32 to index
        %get3A_330 = arith.index_cast %mul3A_318 : i32 to index
        %get3A_331 = tpu.vector_load %arg7[%get3A_329, %get3A_330] {strides = array<i32>} : memref<4x8192xi32, #tpu.memory_space<vmem>>, vector<16xi32>,
        %convert_element_type3A_332 = arith.sitofp %get3A_331 : vector<16xi32> to vector<16xf32>
        %mul3A_333 = arith.mulf %convert_element_type3A_332, %get3A_320 : vector<16xf32>
        %add3A_334 = arith.addf %add3A_298, %mul3A_333 : vector<16xf32>
        %get3A_335 = arith.constant 2 : i32
        %get3A_336 = arith.index_cast %get3A_335 : i32 to index
        %get3A_337 = arith.index_cast %mul3A_318 : i32 to index
        %get3A_338 = tpu.vector_load %arg7[%get3A_336, %get3A_337] {strides = array<i32>} : memref<4x8192xi32, #tpu.memory_space<vmem>>, vector<16xi32>,
        %convert_element_type3A_339 = arith.sitofp %get3A_338 : vector<16xi32> to vector<16xf32>
        %mul3A_340 = arith.mulf %convert_element_type3A_339, %get3A_320 : vector<16xf32>
        %add3A_341 = arith.addf %add3A_305, %mul3A_340 : vector<16xf32>
        %get3A_342 = arith.constant 3 : i32
        %get3A_343 = arith.index_cast %get3A_342 : i32 to index
        %get3A_344 = arith.index_cast %mul3A_318 : i32 to index
        %get3A_345 = tpu.vector_load %arg7[%get3A_343, %get3A_344] {strides = array<i32>} : memref<4x8192xi32, #tpu.memory_space<vmem>>, vector<16xi32>,
        %convert_element_type3A_346 = arith.sitofp %get3A_345 : vector<16xi32> to vector<16xf32>
        %mul3A_347 = arith.mulf %convert_element_type3A_346, %get3A_320 : vector<16xf32>
        %add3A_348 = arith.addf %add3A_312, %mul3A_347 : vector<16xf32>
        %mul3A_349 = arith.constant 4 : i32
        %mul3A_350 = arith.muli %scan3A_273, %mul3A_349 : i32
        %add3A_351 = arith.constant 2 : i32
        %add3A_352 = arith.addi %mul3A_350, %add3A_351 : i32
        %mul3A_353 = arith.constant 16 : i32
        %mul3A_354 = arith.muli %add3A_352, %mul3A_353 : i32
        %get3A_355 = arith.index_cast %mul3A_354 : i32 to index
        %get3A_356 = tpu.vector_load %arg5[%get3A_355] {strides = array<i32>} : memref<8192xf32, #tpu.memory_space<vmem>>, vector<16xf32>,
        %get3A_357 = arith.constant 0 : i32
        %get3A_358 = arith.index_cast %get3A_357 : i32 to index
        %get3A_359 = arith.index_cast %mul3A_354 : i32 to index
        %get3A_360 = tpu.vector_load %arg7[%get3A_358, %get3A_359] {strides = array<i32>} : memref<4x8192xi32, #tpu.memory_space<vmem>>, vector<16xi32>,
        %convert_element_type3A_361 = arith.sitofp %get3A_360 : vector<16xi32> to vector<16xf32>
        %mul3A_362 = arith.mulf %convert_element_type3A_361, %get3A_356 : vector<16xf32>
        %add3A_363 = arith.addf %add3A_327, %mul3A_362 : vector<16xf32>
        %get3A_364 = arith.constant 1 : i32
        %get3A_365 = arith.index_cast %get3A_364 : i32 to index
        %get3A_366 = arith.index_cast %mul3A_354 : i32 to index
        %get3A_367 = tpu.vector_load %arg7[%get3A_365, %get3A_366] {strides = array<i32>} : memref<4x8192xi32, #tpu.memory_space<vmem>>, vector<16xi32>,
        %convert_element_type3A_368 = arith.sitofp %get3A_367 : vector<16xi32> to vector<16xf32>
        %mul3A_369 = arith.mulf %convert_element_type3A_368, %get3A_356 : vector<16xf32>
        %add3A_370 = arith.addf %add3A_334, %mul3A_369 : vector<16xf32>
        %get3A_371 = arith.constant 2 : i32
        %get3A_372 = arith.index_cast %get3A_371 : i32 to index
        %get3A_373 = arith.index_cast %mul3A_354 : i32 to index
        %get3A_374 = tpu.vector_load %arg7[%get3A_372, %get3A_373] {strides = array<i32>} : memref<4x8192xi32, #tpu.memory_space<vmem>>, vector<16xi32>,
        %convert_element_type3A_375 = arith.sitofp %get3A_374 : vector<16xi32> to vector<16xf32>
        %mul3A_376 = arith.mulf %convert_element_type3A_375, %get3A_356 : vector<16xf32>
        %add3A_377 = arith.addf %add3A_341, %mul3A_376 : vector<16xf32>
        %get3A_378 = arith.constant 3 : i32
        %get3A_379 = arith.index_cast %get3A_378 : i32 to index
        %get3A_380 = arith.index_cast %mul3A_354 : i32 to index
        %get3A_381 = tpu.vector_load %arg7[%get3A_379, %get3A_380] {strides = array<i32>} : memref<4x8192xi32, #tpu.memory_space<vmem>>, vector<16xi32>,
        %convert_element_type3A_382 = arith.sitofp %get3A_381 : vector<16xi32> to vector<16xf32>
        %mul3A_383 = arith.mulf %convert_element_type3A_382, %get3A_356 : vector<16xf32>
        %add3A_384 = arith.addf %add3A_348, %mul3A_383 : vector<16xf32>
        %mul3A_385 = arith.constant 4 : i32
        %mul3A_386 = arith.muli %scan3A_273, %mul3A_385 : i32
        %add3A_387 = arith.constant 3 : i32
        %add3A_388 = arith.addi %mul3A_386, %add3A_387 : i32
        %mul3A_389 = arith.constant 16 : i32
        %mul3A_390 = arith.muli %add3A_388, %mul3A_389 : i32
        %get3A_391 = arith.index_cast %mul3A_390 : i32 to index
        %get3A_392 = tpu.vector_load %arg5[%get3A_391] {strides = array<i32>} : memref<8192xf32, #tpu.memory_space<vmem>>, vector<16xf32>,
        %get3A_393 = arith.constant 0 : i32
        %get3A_394 = arith.index_cast %get3A_393 : i32 to index
        %get3A_395 = arith.index_cast %mul3A_390 : i32 to index
        %get3A_396 = tpu.vector_load %arg7[%get3A_394, %get3A_395] {strides = array<i32>} : memref<4x8192xi32, #tpu.memory_space<vmem>>, vector<16xi32>,
        %convert_element_type3A_397 = arith.sitofp %get3A_396 : vector<16xi32> to vector<16xf32>
        %mul3A_398 = arith.mulf %convert_element_type3A_397, %get3A_392 : vector<16xf32>
        %add3A_399 = arith.addf %add3A_363, %mul3A_398 : vector<16xf32>
        %get3A_400 = arith.constant 1 : i32
        %get3A_401 = arith.index_cast %get3A_400 : i32 to index
        %get3A_402 = arith.index_cast %mul3A_390 : i32 to index
        %get3A_403 = tpu.vector_load %arg7[%get3A_401, %get3A_402] {strides = array<i32>} : memref<4x8192xi32, #tpu.memory_space<vmem>>, vector<16xi32>,
        %convert_element_type3A_404 = arith.sitofp %get3A_403 : vector<16xi32> to vector<16xf32>
        %mul3A_405 = arith.mulf %convert_element_type3A_404, %get3A_392 : vector<16xf32>
        %add3A_406 = arith.addf %add3A_370, %mul3A_405 : vector<16xf32>
        %get3A_407 = arith.constant 2 : i32
        %get3A_408 = arith.index_cast %get3A_407 : i32 to index
        %get3A_409 = arith.index_cast %mul3A_390 : i32 to index
        %get3A_410 = tpu.vector_load %arg7[%get3A_408, %get3A_409] {strides = array<i32>} : memref<4x8192xi32, #tpu.memory_space<vmem>>, vector<16xi32>,
        %convert_element_type3A_411 = arith.sitofp %get3A_410 : vector<16xi32> to vector<16xf32>
        %mul3A_412 = arith.mulf %convert_element_type3A_411, %get3A_392 : vector<16xf32>
        %add3A_413 = arith.addf %add3A_377, %mul3A_412 : vector<16xf32>
        %get3A_414 = arith.constant 3 : i32
        %get3A_415 = arith.index_cast %get3A_414 : i32 to index
        %get3A_416 = arith.index_cast %mul3A_390 : i32 to index
        %get3A_417 = tpu.vector_load %arg7[%get3A_415, %get3A_416] {strides = array<i32>} : memref<4x8192xi32, #tpu.memory_space<vmem>>, vector<16xi32>,
        %convert_element_type3A_418 = arith.sitofp %get3A_417 : vector<16xi32> to vector<16xf32>
        %mul3A_419 = arith.mulf %convert_element_type3A_418, %get3A_392 : vector<16xf32>
        %add3A_420 = arith.addf %add3A_384, %mul3A_419 : vector<16xf32>
        scf.yield %add3A_399, %add3A_406, %add3A_413, %add3A_420 : vector<16xf32>, vector<16xf32>, vector<16xf32>, vector<16xf32>
      }
      %scan3A_186 = arith.constant 128 : i32
      %swap3A_187 = arith.constant 12 : i32
      %swap3A_188 = arith.index_cast %swap3A_187 : i32 to index
      %swap3A_189 = arith.constant 0 : index
      %swap3A_190 = tpu.vector_load %arg9[%swap3A_188, %swap3A_189] {strides = array<i32>} : memref<16x16xf32, #tpu.memory_space<vmem>>, vector<16xf32>,
      tpu.vector_store %arg9[%swap3A_188, %swap3A_189], %scan3A_185#0 {strides = array<i32>} : memref<16x16xf32, #tpu.memory_space<vmem>>, vector<16xf32>,
      %swap3A_191 = arith.constant 13 : i32
      %swap3A_192 = arith.index_cast %swap3A_191 : i32 to index
      %swap3A_193 = arith.constant 0 : index
      %swap3A_194 = tpu.vector_load %arg9[%swap3A_192, %swap3A_193] {strides = array<i32>} : memref<16x16xf32, #tpu.memory_space<vmem>>, vector<16xf32>,
      tpu.vector_store %arg9[%swap3A_192, %swap3A_193], %scan3A_185#1 {strides = array<i32>} : memref<16x16xf32, #tpu.memory_space<vmem>>, vector<16xf32>,
      %swap3A_195 = arith.constant 14 : i32
      %swap3A_196 = arith.index_cast %swap3A_195 : i32 to index
      %swap3A_197 = arith.constant 0 : index
      %swap3A_198 = tpu.vector_load %arg9[%swap3A_196, %swap3A_197] {strides = array<i32>} : memref<16x16xf32, #tpu.memory_space<vmem>>, vector<16xf32>,
      tpu.vector_store %arg9[%swap3A_196, %swap3A_197], %scan3A_185#2 {strides = array<i32>} : memref<16x16xf32, #tpu.memory_space<vmem>>, vector<16xf32>,
      %swap3A_199 = arith.constant 15 : i32
      %swap3A_200 = arith.index_cast %swap3A_199 : i32 to index
      %swap3A_201 = arith.constant 0 : index
      %swap3A_202 = tpu.vector_load %arg9[%swap3A_200, %swap3A_201] {strides = array<i32>} : memref<16x16xf32, #tpu.memory_space<vmem>>, vector<16xf32>,
      tpu.vector_store %arg9[%swap3A_200, %swap3A_201], %scan3A_185#3 {strides = array<i32>} : memref<16x16xf32, #tpu.memory_space<vmem>>, vector<16xf32>,
      %broadcast_in_dim3A_203 = arith.constant 0.000000e+00 : f32
      %broadcast_in_dim3A_204 = vector.broadcast %broadcast_in_dim3A_203 : f32 to vector<16xf32>
      %broadcast_in_dim3A_205 = arith.constant 0 : i32
      %broadcast_in_dim3A_206 = vector.broadcast %broadcast_in_dim3A_205 : i32 to vector<16xi32>
      %gather3A = tpu.vector_load_idx %arg9[%iota3A, %broadcast_in_dim3A_206] : memref<16x16xf32, #tpu.memory_space<vmem>>[vector<16xi32>, vector<16xi32>], vector<16xf32>,
      %add3A_207 = arith.addf %broadcast_in_dim3A_204, %gather3A : vector<16xf32>
      %broadcast_in_dim3A_208 = arith.constant 1 : i32
      %broadcast_in_dim3A_209 = vector.broadcast %broadcast_in_dim3A_208 : i32 to vector<16xi32>
      %gather3A_210 = tpu.vector_load_idx %arg9[%iota3A, %broadcast_in_dim3A_209] : memref<16x16xf32, #tpu.memory_space<vmem>>[vector<16xi32>, vector<16xi32>], vector<16xf32>,
      %add3A_211 = arith.addf %add3A_207, %gather3A_210 : vector<16xf32>
      %broadcast_in_dim3A_212 = arith.constant 2 : i32
      %broadcast_in_dim3A_213 = vector.broadcast %broadcast_in_dim3A_212 : i32 to vector<16xi32>
      %gather3A_214 = tpu.vector_load_idx %arg9[%iota3A, %broadcast_in_dim3A_213] : memref<16x16xf32, #tpu.memory_space<vmem>>[vector<16xi32>, vector<16xi32>], vector<16xf32>,
      %add3A_215 = arith.addf %add3A_211, %gather3A_214 : vector<16xf32>
      %broadcast_in_dim3A_216 = arith.constant 3 : i32
      %broadcast_in_dim3A_217 = vector.broadcast %broadcast_in_dim3A_216 : i32 to vector<16xi32>
      %gather3A_218 = tpu.vector_load_idx %arg9[%iota3A, %broadcast_in_dim3A_217] : memref<16x16xf32, #tpu.memory_space<vmem>>[vector<16xi32>, vector<16xi32>], vector<16xf32>,
      %add3A_219 = arith.addf %add3A_215, %gather3A_218 : vector<16xf32>
      %broadcast_in_dim3A_220 = arith.constant 4 : i32
      %broadcast_in_dim3A_221 = vector.broadcast %broadcast_in_dim3A_220 : i32 to vector<16xi32>
      %gather3A_222 = tpu.vector_load_idx %arg9[%iota3A, %broadcast_in_dim3A_221] : memref<16x16xf32, #tpu.memory_space<vmem>>[vector<16xi32>, vector<16xi32>], vector<16xf32>,
      %add3A_223 = arith.addf %add3A_219, %gather3A_222 : vector<16xf32>
      %broadcast_in_dim3A_224 = arith.constant 5 : i32
      %broadcast_in_dim3A_225 = vector.broadcast %broadcast_in_dim3A_224 : i32 to vector<16xi32>
      %gather3A_226 = tpu.vector_load_idx %arg9[%iota3A, %broadcast_in_dim3A_225] : memref<16x16xf32, #tpu.memory_space<vmem>>[vector<16xi32>, vector<16xi32>], vector<16xf32>,
      %add3A_227 = arith.addf %add3A_223, %gather3A_226 : vector<16xf32>
      %broadcast_in_dim3A_228 = arith.constant 6 : i32
      %broadcast_in_dim3A_229 = vector.broadcast %broadcast_in_dim3A_228 : i32 to vector<16xi32>
      %gather3A_230 = tpu.vector_load_idx %arg9[%iota3A, %broadcast_in_dim3A_229] : memref<16x16xf32, #tpu.memory_space<vmem>>[vector<16xi32>, vector<16xi32>], vector<16xf32>,
      %add3A_231 = arith.addf %add3A_227, %gather3A_230 : vector<16xf32>
      %broadcast_in_dim3A_232 = arith.constant 7 : i32
      %broadcast_in_dim3A_233 = vector.broadcast %broadcast_in_dim3A_232 : i32 to vector<16xi32>
      %gather3A_234 = tpu.vector_load_idx %arg9[%iota3A, %broadcast_in_dim3A_233] : memref<16x16xf32, #tpu.memory_space<vmem>>[vector<16xi32>, vector<16xi32>], vector<16xf32>,
      %add3A_235 = arith.addf %add3A_231, %gather3A_234 : vector<16xf32>
      %broadcast_in_dim3A_236 = arith.constant 8 : i32
      %broadcast_in_dim3A_237 = vector.broadcast %broadcast_in_dim3A_236 : i32 to vector<16xi32>
      %gather3A_238 = tpu.vector_load_idx %arg9[%iota3A, %broadcast_in_dim3A_237] : memref<16x16xf32, #tpu.memory_space<vmem>>[vector<16xi32>, vector<16xi32>], vector<16xf32>,
      %add3A_239 = arith.addf %add3A_235, %gather3A_238 : vector<16xf32>
      %broadcast_in_dim3A_240 = arith.constant 9 : i32
      %broadcast_in_dim3A_241 = vector.broadcast %broadcast_in_dim3A_240 : i32 to vector<16xi32>
      %gather3A_242 = tpu.vector_load_idx %arg9[%iota3A, %broadcast_in_dim3A_241] : memref<16x16xf32, #tpu.memory_space<vmem>>[vector<16xi32>, vector<16xi32>], vector<16xf32>,
      %add3A_243 = arith.addf %add3A_239, %gather3A_242 : vector<16xf32>
      %broadcast_in_dim3A_244 = arith.constant 10 : i32
      %broadcast_in_dim3A_245 = vector.broadcast %broadcast_in_dim3A_244 : i32 to vector<16xi32>
      %gather3A_246 = tpu.vector_load_idx %arg9[%iota3A, %broadcast_in_dim3A_245] : memref<16x16xf32, #tpu.memory_space<vmem>>[vector<16xi32>, vector<16xi32>], vector<16xf32>,
      %add3A_247 = arith.addf %add3A_243, %gather3A_246 : vector<16xf32>
      %broadcast_in_dim3A_248 = arith.constant 11 : i32
      %broadcast_in_dim3A_249 = vector.broadcast %broadcast_in_dim3A_248 : i32 to vector<16xi32>
      %gather3A_250 = tpu.vector_load_idx %arg9[%iota3A, %broadcast_in_dim3A_249] : memref<16x16xf32, #tpu.memory_space<vmem>>[vector<16xi32>, vector<16xi32>], vector<16xf32>,
      %add3A_251 = arith.addf %add3A_247, %gather3A_250 : vector<16xf32>
      %broadcast_in_dim3A_252 = arith.constant 12 : i32
      %broadcast_in_dim3A_253 = vector.broadcast %broadcast_in_dim3A_252 : i32 to vector<16xi32>
      %gather3A_254 = tpu.vector_load_idx %arg9[%iota3A, %broadcast_in_dim3A_253] : memref<16x16xf32, #tpu.memory_space<vmem>>[vector<16xi32>, vector<16xi32>], vector<16xf32>,
      %add3A_255 = arith.addf %add3A_251, %gather3A_254 : vector<16xf32>
      %broadcast_in_dim3A_256 = arith.constant 13 : i32
      %broadcast_in_dim3A_257 = vector.broadcast %broadcast_in_dim3A_256 : i32 to vector<16xi32>
      %gather3A_258 = tpu.vector_load_idx %arg9[%iota3A, %broadcast_in_dim3A_257] : memref<16x16xf32, #tpu.memory_space<vmem>>[vector<16xi32>, vector<16xi32>], vector<16xf32>,
      %add3A_259 = arith.addf %add3A_255, %gather3A_258 : vector<16xf32>
      %broadcast_in_dim3A_260 = arith.constant 14 : i32
      %broadcast_in_dim3A_261 = vector.broadcast %broadcast_in_dim3A_260 : i32 to vector<16xi32>
      %gather3A_262 = tpu.vector_load_idx %arg9[%iota3A, %broadcast_in_dim3A_261] : memref<16x16xf32, #tpu.memory_space<vmem>>[vector<16xi32>, vector<16xi32>], vector<16xf32>,
      %add3A_263 = arith.addf %add3A_259, %gather3A_262 : vector<16xf32>
      %broadcast_in_dim3A_264 = arith.constant 15 : i32
      %broadcast_in_dim3A_265 = vector.broadcast %broadcast_in_dim3A_264 : i32 to vector<16xi32>
      %gather3A_266 = tpu.vector_load_idx %arg9[%iota3A, %broadcast_in_dim3A_265] : memref<16x16xf32, #tpu.memory_space<vmem>>[vector<16xi32>, vector<16xi32>], vector<16xf32>,
      %add3A_267 = arith.addf %add3A_263, %gather3A_266 : vector<16xf32>
      %mul3A_268 = arith.constant 16 : i32
      %mul3A_269 = arith.muli %scan3A_15, %mul3A_268 : i32
      %swap3A_270 = arith.index_cast %mul3A_269 : i32 to index
      %swap3A_271 = tpu.vector_load %arg8[%swap3A_270] {strides = array<i32>} : memref<64xf32, #tpu.memory_space<vmem>>, vector<16xf32>,
      tpu.vector_store %arg8[%swap3A_270], %add3A_267 {strides = array<i32>} : memref<64xf32, #tpu.memory_space<vmem>>, vector<16xf32>,
      %scan3A_272 = arith.constant 0 : i32
      scf.yield %scan3A_272 : i32
    }
    %scan3A_13 = arith.constant 4 : i32
    %sub3A = arith.constant 6144 : i32
    %sub3A_14 = arith.subi %add3A_4, %sub3A : i32
    "tpu.region"() ({
      %run_scoped3A = tpu.sem_alloc : memref<!tpu.dma_semaphore, #tpu.memory_space<semaphore_mem>>
      %dma_start3A_15 = tpu.memref_slice %arg4[%sub3A_14] : memref<2048xf32, #tpu.memory_space<hbm>> -> memref<64xf32, #tpu.memory_space<hbm>>
      %dma_start3A_16 = tpu.memref_slice %arg4[%sub3A_14] : memref<2048xf32, #tpu.memory_space<hbm>> -> memref<64xf32, #tpu.memory_space<hbm>>
      tpu.enqueue_dma source(%arg8 : memref<64xf32, #tpu.memory_space<vmem>>) target(%dma_start3A_16 : memref<64xf32, #tpu.memory_space<hbm>>) target_semaphore(%run_scoped3A : memref<!tpu.dma_semaphore, #tpu.memory_space<semaphore_mem>>)
      %dma_wait3A = tpu.memref_slice %arg4[%sub3A_14] : memref<2048xf32, #tpu.memory_space<hbm>> -> memref<64xf32, #tpu.memory_space<hbm>>
      %dma_wait3A_17 = tpu.memref_slice %arg4[%sub3A_14] : memref<2048xf32, #tpu.memory_space<hbm>> -> memref<64xf32, #tpu.memory_space<hbm>>
      tpu.wait_dma2 semaphore(%run_scoped3A : memref<!tpu.dma_semaphore, #tpu.memory_space<semaphore_mem>>) src(%arg8 : memref<64xf32, #tpu.memory_space<vmem>>) dst(%dma_wait3A_17 : memref<64xf32, #tpu.memory_space<hbm>>)
      tpu.yield
    }) : () -> ()
    return
  }
}

module attributes {stable_mosaic.version = 14 : i64} {
  func.func @_tc_main_body(%arg0: i32, %arg1: memref<256x8192xi32, #tpu.memory_space<vmem>>, %arg2: memref<192x8192xi32, #tpu.memory_space<vmem>>, %arg3: memref<1x8192xf32, #tpu.memory_space<vmem>>, %arg4: memref<1x8192xf32, #tpu.memory_space<vmem>>, %arg5: memref<256x128xf32, #tpu.memory_space<vmem>>, %arg6: memref<192x128xf32, #tpu.memory_space<vmem>>, %arg7: memref<128x128xf32, #tpu.memory_space<vmem>>, %arg8: memref<128x128xf32, #tpu.memory_space<vmem>>, %arg9: memref<128x128xf32, #tpu.memory_space<vmem>>, %arg10: memref<128x128xf32, #tpu.memory_space<vmem>>, %arg11: memref<256x128xf32, #tpu.memory_space<vmem>>, %arg12: memref<192x128xf32, #tpu.memory_space<vmem>>) attributes {dimension_semantics = [#tpu.dimension_semantics<parallel>], iteration_bounds = array<i64: 32>, scalar_prefetch = 0 : i64, scratch_operands = 0 : i64, tpu.core_type = #tpu.core_type<tc>, window_params = [{transform_indices = @transform_0, window_bounds = array<i64: 256, 8192>}, {transform_indices = @transform_1, window_bounds = array<i64: 192, 8192>}, {pipeline_mode = #tpu.pipeline_mode<synchronous>, transform_indices = @transform_2, window_bounds = array<i64: 1, 8192>}, {pipeline_mode = #tpu.pipeline_mode<synchronous>, transform_indices = @transform_3, window_bounds = array<i64: 1, 8192>}, {transform_indices = @transform_4, window_bounds = array<i64: 256, 128>}, {transform_indices = @transform_5, window_bounds = array<i64: 192, 128>}, {pipeline_mode = #tpu.pipeline_mode<synchronous>, transform_indices = @transform_6, window_bounds = array<i64: 128, 128>}, {pipeline_mode = #tpu.pipeline_mode<synchronous>, transform_indices = @transform_7, window_bounds = array<i64: 128, 128>}, {pipeline_mode = #tpu.pipeline_mode<synchronous>, transform_indices = @transform_8, window_bounds = array<i64: 128, 128>}, {pipeline_mode = #tpu.pipeline_mode<synchronous>, transform_indices = @transform_9, window_bounds = array<i64: 128, 128>}, {transform_indices = @transform_10, window_bounds = array<i64: 256, 128>}, {transform_indices = @transform_11, window_bounds = array<i64: 192, 128>}]} {
    %get3A = arith.constant 0 : index
    %get3A_0 = arith.constant 0 : index
    %get3A_1 = vector.load %arg1[%get3A, %get3A_0] : memref<256x8192xi32, #tpu.memory_space<vmem>>, vector<256x8192xi32>
    %ne3A = arith.constant 0 : i32
    %ne3A_2 = vector.broadcast %ne3A : i32 to vector<256x8192xi32>
    %ne3A_3 = arith.cmpi ne, %get3A_1, %ne3A_2 : vector<256x8192xi32>
    %get3A_4 = arith.constant 0 : index
    %get3A_5 = arith.constant 0 : index
    %get3A_6 = vector.load %arg3[%get3A_4, %get3A_5] : memref<1x8192xf32, #tpu.memory_space<vmem>>, vector<1x8192xf32>
    %jit3A = arith.constant -3.40282347E+38 : f32
    %broadcast_in_dim3A = vector.shape_cast %get3A_6 : vector<1x8192xf32> to vector<1x8192xf32>
    %broadcast_in_dim3A_7 = vector.broadcast %broadcast_in_dim3A : vector<1x8192xf32> to vector<256x8192xf32>
    %broadcast_in_dim3A_8 = vector.broadcast %jit3A : f32 to vector<256x8192xf32>
    %select_n3A = arith.select %ne3A_3, %broadcast_in_dim3A_7, %broadcast_in_dim3A_8 : vector<256x8192xi1>, vector<256x8192xf32>
    %reduce_max3A = arith.constant dense<0xFF800000> : vector<256xf32>
    %reduce_max3A_9 = vector.multi_reduction <maximumf>, %select_n3A, %reduce_max3A [1] : vector<256x8192xf32> to vector<256xf32>
    %broadcast_in_dim3A_10 = vector.shape_cast %reduce_max3A_9 : vector<256xf32> to vector<256x1xf32>
    %reduce_max3A_11 = arith.constant dense<-2147483648> : vector<256xi32>
    %reduce_max3A_12 = vector.multi_reduction <maxsi>, %get3A_1, %reduce_max3A_11 [1] : vector<256x8192xi32> to vector<256xi32>
    %broadcast_in_dim3A_13 = vector.shape_cast %reduce_max3A_12 : vector<256xi32> to vector<256x1xi32>
    %get3A_14 = arith.constant 0 : index
    %get3A_15 = arith.constant 0 : index
    %get3A_16 = vector.load %arg2[%get3A_14, %get3A_15] : memref<192x8192xi32, #tpu.memory_space<vmem>>, vector<192x8192xi32>
    %ne3A_17 = arith.constant 0 : i32
    %ne3A_18 = vector.broadcast %ne3A_17 : i32 to vector<192x8192xi32>
    %ne3A_19 = arith.cmpi ne, %get3A_16, %ne3A_18 : vector<192x8192xi32>
    %get3A_20 = arith.constant 0 : index
    %get3A_21 = arith.constant 0 : index
    %get3A_22 = vector.load %arg4[%get3A_20, %get3A_21] : memref<1x8192xf32, #tpu.memory_space<vmem>>, vector<1x8192xf32>
    %jit3A_23 = arith.constant 0.000000e+00 : f32
    %broadcast_in_dim3A_24 = vector.shape_cast %get3A_22 : vector<1x8192xf32> to vector<1x8192xf32>
    %broadcast_in_dim3A_25 = vector.broadcast %broadcast_in_dim3A_24 : vector<1x8192xf32> to vector<192x8192xf32>
    %broadcast_in_dim3A_26 = vector.broadcast %jit3A_23 : f32 to vector<192x8192xf32>
    %select_n3A_27 = arith.select %ne3A_19, %broadcast_in_dim3A_25, %broadcast_in_dim3A_26 : vector<192x8192xi1>, vector<192x8192xf32>
    %reduce_sum3A = arith.constant dense<0.000000e+00> : vector<192xf32>
    %reduce_sum3A_28 = vector.multi_reduction <add>, %select_n3A_27, %reduce_sum3A [1] : vector<192x8192xf32> to vector<192xf32>
    %broadcast_in_dim3A_29 = vector.shape_cast %reduce_sum3A_28 : vector<192xf32> to vector<192x1xf32>
    %gt3A = arith.constant 0 : i32
    %gt3A_30 = vector.broadcast %gt3A : i32 to vector<256x1xi32>
    %gt3A_31 = arith.cmpi sgt, %broadcast_in_dim3A_13, %gt3A_30 : vector<256x1xi32>
    %jit3A_32 = arith.constant 0.000000e+00 : f32
    %broadcast_in_dim3A_33 = vector.broadcast %jit3A_32 : f32 to vector<256x1xf32>
    %select_n3A_34 = arith.select %gt3A_31, %broadcast_in_dim3A_10, %broadcast_in_dim3A_33 : vector<256x1xi1>, vector<256x1xf32>
    %get3A_35 = arith.constant 0 : index
    %get3A_36 = arith.constant 0 : index
    %get3A_37 = vector.load %arg8[%get3A_35, %get3A_36] : memref<128x128xf32, #tpu.memory_space<vmem>>, vector<128x128xf32>
    %reduce_sum3A_38 = arith.constant dense<0.000000e+00> : vector<128xf32>
    %reduce_sum3A_39 = vector.multi_reduction <add>, %get3A_37, %reduce_sum3A_38 [1] : vector<128x128xf32> to vector<128xf32>
    %get3A_40 = arith.constant 0 : index
    %get3A_41 = arith.constant 0 : index
    %get3A_42 = vector.load %arg10[%get3A_40, %get3A_41] : memref<128x128xf32, #tpu.memory_space<vmem>>, vector<128x128xf32>
    %reduce_sum3A_43 = arith.constant dense<0.000000e+00> : vector<128xf32>
    %reduce_sum3A_44 = vector.multi_reduction <add>, %get3A_42, %reduce_sum3A_43 [1] : vector<128x128xf32> to vector<128xf32>
    %get3A_45 = arith.constant 0 : index
    %get3A_46 = arith.constant 0 : index
    %get3A_47 = vector.load %arg5[%get3A_45, %get3A_46] : memref<256x128xf32, #tpu.memory_space<vmem>>, vector<256x128xf32>
    %get3A_48 = arith.constant 0 : index
    %get3A_49 = arith.constant 0 : index
    %get3A_50 = vector.load %arg7[%get3A_48, %get3A_49] : memref<128x128xf32, #tpu.memory_space<vmem>>, vector<128x128xf32>
    %transpose3A = tpu.transpose %get3A_50, [1, 0] : vector<128x128xf32> -> vector<128x128xf32>
    %dot_general3A = arith.constant dense<0.000000e+00> : vector<256x128xf32>
    %dot_general3A_51 = tpu.matmul %get3A_47, %transpose3A, %dot_general3A {dimension_numbers = #tpu.dot_dimension_numbers<[1], [0], [0], [1], [0, 0, 1, 1], [], []>, transpose_lhs_hint = false} : vector<256x128xf32>, vector<128x128xf32>, vector<256x128xf32> -> vector<256x128xf32>
    %get3A_52 = arith.constant 0 : index
    %get3A_53 = arith.constant 0 : index
    %get3A_54 = vector.load %arg6[%get3A_52, %get3A_53] : memref<192x128xf32, #tpu.memory_space<vmem>>, vector<192x128xf32>
    %get3A_55 = arith.constant 0 : index
    %get3A_56 = arith.constant 0 : index
    %get3A_57 = vector.load %arg9[%get3A_55, %get3A_56] : memref<128x128xf32, #tpu.memory_space<vmem>>, vector<128x128xf32>
    %transpose3A_58 = tpu.transpose %get3A_57, [1, 0] : vector<128x128xf32> -> vector<128x128xf32>
    %dot_general3A_59 = arith.constant dense<0.000000e+00> : vector<192x128xf32>
    %dot_general3A_60 = tpu.matmul %get3A_54, %transpose3A_58, %dot_general3A_59 {dimension_numbers = #tpu.dot_dimension_numbers<[1], [0], [0], [1], [0, 0, 1, 1], [], []>, transpose_lhs_hint = false} : vector<192x128xf32>, vector<128x128xf32>, vector<192x128xf32> -> vector<192x128xf32>
    %broadcast_in_dim3A_61 = vector.shape_cast %reduce_sum3A_39 : vector<128xf32> to vector<1x128xf32>
    %mul3A = vector.broadcast %select_n3A_34 : vector<256x1xf32> to vector<256x128xf32>
    %mul3A_62 = vector.broadcast %broadcast_in_dim3A_61 : vector<1x128xf32> to vector<256x128xf32>
    %mul3A_63 = arith.mulf %mul3A, %mul3A_62 : vector<256x128xf32>
    %add3A = arith.addf %dot_general3A_51, %mul3A_63 : vector<256x128xf32>
    %max3A = arith.constant 0.000000e+00 : f32
    %max3A_64 = vector.broadcast %max3A : f32 to vector<256x128xf32>
    %max3A_65 = arith.maximumf %add3A, %max3A_64 : vector<256x128xf32>
    %swap3A = arith.constant 0 : index
    %swap3A_66 = arith.constant 0 : index
    %swap3A_67 = vector.load %arg11[%swap3A, %swap3A_66] : memref<256x128xf32, #tpu.memory_space<vmem>>, vector<256x128xf32>
    tpu.vector_store %arg11[%swap3A, %swap3A_66], %max3A_65 {strides = array<i32>} : memref<256x128xf32, #tpu.memory_space<vmem>>, vector<256x128xf32>,
    %broadcast_in_dim3A_68 = vector.shape_cast %reduce_sum3A_44 : vector<128xf32> to vector<1x128xf32>
    %mul3A_69 = vector.broadcast %broadcast_in_dim3A_29 : vector<192x1xf32> to vector<192x128xf32>
    %mul3A_70 = vector.broadcast %broadcast_in_dim3A_68 : vector<1x128xf32> to vector<192x128xf32>
    %mul3A_71 = arith.mulf %mul3A_69, %mul3A_70 : vector<192x128xf32>
    %add3A_72 = arith.addf %dot_general3A_60, %mul3A_71 : vector<192x128xf32>
    %max3A_73 = arith.constant 0.000000e+00 : f32
    %max3A_74 = vector.broadcast %max3A_73 : f32 to vector<192x128xf32>
    %max3A_75 = arith.maximumf %add3A_72, %max3A_74 : vector<192x128xf32>
    %swap3A_76 = arith.constant 0 : index
    %swap3A_77 = arith.constant 0 : index
    %swap3A_78 = vector.load %arg12[%swap3A_76, %swap3A_77] : memref<192x128xf32, #tpu.memory_space<vmem>>, vector<192x128xf32>
    tpu.vector_store %arg12[%swap3A_76, %swap3A_77], %max3A_75 {strides = array<i32>} : memref<192x128xf32, #tpu.memory_space<vmem>>, vector<192x128xf32>,
    return
  }
  func.func @transform_0(%arg0: i32) -> (i32, i32) {
    %c0_i32 = arith.constant 0 : i32
    %c0_i32_0 = arith.constant 0 : i32
    return %arg0, %c0_i32 : i32, i32
  }
  func.func @transform_1(%arg0: i32) -> (i32, i32) {
    %c0_i32 = arith.constant 0 : i32
    %c0_i32_0 = arith.constant 0 : i32
    return %arg0, %c0_i32 : i32, i32
  }
  func.func @transform_2(%arg0: i32) -> (i32, i32) {
    %c0_i32 = arith.constant 0 : i32
    %c0_i32_0 = arith.constant 0 : i32
    %c0_i32_1 = arith.constant 0 : i32
    return %c0_i32, %c0_i32_0 : i32, i32
  }
  func.func @transform_3(%arg0: i32) -> (i32, i32) {
    %c0_i32 = arith.constant 0 : i32
    %c0_i32_0 = arith.constant 0 : i32
    %c0_i32_1 = arith.constant 0 : i32
    return %c0_i32, %c0_i32_0 : i32, i32
  }
  func.func @transform_4(%arg0: i32) -> (i32, i32) {
    %c0_i32 = arith.constant 0 : i32
    %c0_i32_0 = arith.constant 0 : i32
    return %arg0, %c0_i32 : i32, i32
  }
  func.func @transform_5(%arg0: i32) -> (i32, i32) {
    %c0_i32 = arith.constant 0 : i32
    %c0_i32_0 = arith.constant 0 : i32
    return %arg0, %c0_i32 : i32, i32
  }
  func.func @transform_6(%arg0: i32) -> (i32, i32) {
    %c0_i32 = arith.constant 0 : i32
    %c0_i32_0 = arith.constant 0 : i32
    %c0_i32_1 = arith.constant 0 : i32
    return %c0_i32, %c0_i32_0 : i32, i32
  }
  func.func @transform_7(%arg0: i32) -> (i32, i32) {
    %c0_i32 = arith.constant 0 : i32
    %c0_i32_0 = arith.constant 0 : i32
    %c0_i32_1 = arith.constant 0 : i32
    return %c0_i32, %c0_i32_0 : i32, i32
  }
  func.func @transform_8(%arg0: i32) -> (i32, i32) {
    %c0_i32 = arith.constant 0 : i32
    %c0_i32_0 = arith.constant 0 : i32
    %c0_i32_1 = arith.constant 0 : i32
    return %c0_i32, %c0_i32_0 : i32, i32
  }
  func.func @transform_9(%arg0: i32) -> (i32, i32) {
    %c0_i32 = arith.constant 0 : i32
    %c0_i32_0 = arith.constant 0 : i32
    %c0_i32_1 = arith.constant 0 : i32
    return %c0_i32, %c0_i32_0 : i32, i32
  }
  func.func @transform_10(%arg0: i32) -> (i32, i32) {
    %c0_i32 = arith.constant 0 : i32
    %c0_i32_0 = arith.constant 0 : i32
    return %arg0, %c0_i32 : i32, i32
  }
  func.func @transform_11(%arg0: i32) -> (i32, i32) {
    %c0_i32 = arith.constant 0 : i32
    %c0_i32_0 = arith.constant 0 : i32
    return %arg0, %c0_i32 : i32, i32
  }
}

module attributes {stable_mosaic.version = 14 : i64} {
  func.func @_tc_out2_body(%arg0: i32, %arg1: memref<512x1xf32, #tpu.memory_space<vmem>>, %arg2: memref<512x128xf32, #tpu.memory_space<vmem>>, %arg3: memref<128x128xf32, #tpu.memory_space<vmem>>, %arg4: memref<128x128xf32, #tpu.memory_space<vmem>>, %arg5: memref<512x128xf32, #tpu.memory_space<vmem>>) attributes {dimension_semantics = [#tpu.dimension_semantics<arbitrary>], iteration_bounds = array<i64: 4>, scalar_prefetch = 0 : i64, scratch_operands = 0 : i64, tpu.core_type = #tpu.core_type<tc>, window_params = [{transform_indices = @transform_0, window_bounds = array<i64: 512, 1>}, {transform_indices = @transform_1, window_bounds = array<i64: 512, 128>}, {pipeline_mode = #tpu.pipeline_mode<synchronous>, transform_indices = @transform_2, window_bounds = array<i64: 128, 128>}, {pipeline_mode = #tpu.pipeline_mode<synchronous>, transform_indices = @transform_3, window_bounds = array<i64: 128, 128>}, {transform_indices = @transform_4, window_bounds = array<i64: 512, 128>}]} {
    %get3A = arith.constant 0 : index
    %get3A_0 = arith.constant 0 : index
    %get3A_1 = vector.load %arg4[%get3A, %get3A_0] : memref<128x128xf32, #tpu.memory_space<vmem>>, vector<128x128xf32>
    %reduce_sum3A = arith.constant dense<0.000000e+00> : vector<128xf32>
    %reduce_sum3A_2 = vector.multi_reduction <add>, %get3A_1, %reduce_sum3A [1] : vector<128x128xf32> to vector<128xf32>
    %get3A_3 = arith.constant 0 : index
    %get3A_4 = arith.constant 0 : index
    %get3A_5 = vector.load %arg2[%get3A_3, %get3A_4] : memref<512x128xf32, #tpu.memory_space<vmem>>, vector<512x128xf32>
    %get3A_6 = arith.constant 0 : index
    %get3A_7 = arith.constant 0 : index
    %get3A_8 = vector.load %arg3[%get3A_6, %get3A_7] : memref<128x128xf32, #tpu.memory_space<vmem>>, vector<128x128xf32>
    %transpose3A = tpu.transpose %get3A_8, [1, 0] : vector<128x128xf32> -> vector<128x128xf32>
    %dot_general3A = arith.constant dense<0.000000e+00> : vector<512x128xf32>
    %dot_general3A_9 = tpu.matmul %get3A_5, %transpose3A, %dot_general3A {dimension_numbers = #tpu.dot_dimension_numbers<[1], [0], [0], [1], [0, 0, 1, 1], [], []>, transpose_lhs_hint = false} : vector<512x128xf32>, vector<128x128xf32>, vector<512x128xf32> -> vector<512x128xf32>
    %get3A_10 = arith.constant 0 : index
    %get3A_11 = arith.constant 0 : index
    %get3A_12 = vector.load %arg1[%get3A_10, %get3A_11] : memref<512x1xf32, #tpu.memory_space<vmem>>, vector<512x1xf32>
    %broadcast_in_dim3A = vector.shape_cast %reduce_sum3A_2 : vector<128xf32> to vector<1x128xf32>
    %mul3A = vector.broadcast %get3A_12 : vector<512x1xf32> to vector<512x128xf32>
    %mul3A_13 = vector.broadcast %broadcast_in_dim3A : vector<1x128xf32> to vector<512x128xf32>
    %mul3A_14 = arith.mulf %mul3A, %mul3A_13 : vector<512x128xf32>
    %add3A = arith.addf %dot_general3A_9, %mul3A_14 : vector<512x128xf32>
    %max3A = arith.constant 0.000000e+00 : f32
    %max3A_15 = vector.broadcast %max3A : f32 to vector<512x128xf32>
    %max3A_16 = arith.maximumf %add3A, %max3A_15 : vector<512x128xf32>
    %swap3A = arith.constant 0 : index
    %swap3A_17 = arith.constant 0 : index
    %swap3A_18 = vector.load %arg5[%swap3A, %swap3A_17] : memref<512x128xf32, #tpu.memory_space<vmem>>, vector<512x128xf32>
    tpu.vector_store %arg5[%swap3A, %swap3A_17], %max3A_16 {strides = array<i32>} : memref<512x128xf32, #tpu.memory_space<vmem>>, vector<512x128xf32>,
    return
  }
  func.func @transform_0(%arg0: i32) -> (i32, i32) {
    %c0_i32 = arith.constant 0 : i32
    %c0_i32_0 = arith.constant 0 : i32
    return %arg0, %c0_i32 : i32, i32
  }
  func.func @transform_1(%arg0: i32) -> (i32, i32) {
    %add3A = arith.constant 12 : i32
    %add3A_0 = arith.addi %arg0, %add3A : i32
    %c0_i32 = arith.constant 0 : i32
    %c0_i32_1 = arith.constant 0 : i32
    return %add3A_0, %c0_i32 : i32, i32
  }
  func.func @transform_2(%arg0: i32) -> (i32, i32) {
    %c0_i32 = arith.constant 0 : i32
    %c0_i32_0 = arith.constant 0 : i32
    %c0_i32_1 = arith.constant 0 : i32
    return %c0_i32, %c0_i32_0 : i32, i32
  }
  func.func @transform_3(%arg0: i32) -> (i32, i32) {
    %c0_i32 = arith.constant 0 : i32
    %c0_i32_0 = arith.constant 0 : i32
    %c0_i32_1 = arith.constant 0 : i32
    return %c0_i32, %c0_i32_0 : i32, i32
  }
  func.func @transform_4(%arg0: i32) -> (i32, i32) {
    %c0_i32 = arith.constant 0 : i32
    %c0_i32_0 = arith.constant 0 : i32
    return %arg0, %c0_i32 : i32, i32
  }
}

</mosaic_0001>

<sc_bundles>
// kernel: kernel.5.cloned.1.call-start
scs
__scs_entry_jumppad:
0x0: {  	(pc) =	sbr.rel $0x88, $3  }
0x1: {  	(tag) =	ssettag $0x0;
	lr =	simm.s32 $0x1  }
0x2: {  	[smem:$0x3F99] =	sst lr;
	_ =	strace $0xD0000000  }
0x3: {  	_ = 	snop  }
0x4: {  	_ = 	snop  }
0x5: {  	_ = 	snop  }
0x6: {  	_ = 	snop  }
0x7: {  	_ = 	snop  }
__scs_overlays_trampoline_lowered:
0x8: {  	[smem:$0x3FA8] =	sst s0  }
0x9: {  	[smem:$0x3FA9] =	sst s1  }
0xa: {  	[smem:$0x3FAA] =	sst s2  }
0xb: {  	[smem:$0x3FAB] =	sst s3  }
0xc: {  	[smem:$0x3FAC] =	sst s4  }
0xd: {  	[smem:$0x3FAD] =	sst s5  }
0xe: {  	[smem:$0x3FAE] =	sst s6  }
0xf: {  	[smem:$0x3FAF] =	sst s7  }
0x10: {  	[smem:$0x3FB0] =	sst s8  }
0x11: {  	[smem:$0x3FB1] =	sst s9;
	s0 =	simm.s32 @!p0 $0x0  }
0x12: {  	s1 =	sld [smem:$0x3F97];
	s0 =	simm.s32 @p0 $0x1  }
0x13: {  	[smem:$0x3FB2] =	sst s0;
	s0 =	simm.s32 @!p1 $0x0  }
0x14: {  	s2 =	sld [smem:$0x3F96];
	s0 =	simm.s32 @p1 $0x1  }
0x15: {  	[smem:$0x3FB3] =	sst s0;
	s0 =	simm.s32 @!p2 $0x0  }
0x16: {  	s3 =	sld [smem:$0x3FDB];
	s0 =	simm.s32 @p2 $0x1  }
0x17: {  	s4 =	simm.s32 $0x1BF5;
	[smem:$0x3FB5] =	sst s0  }
0x18: {  	s0 =	sld [smem:$0x3F98];
	_ =	swait.ge [sflag:s4], $0x0  }
0x19: {  	s7 =	sld [smem:$0x3F99]  }
0x1a: {  	s8 =	sadd.s32 $0xFFFFE003, lr  }
0x1b: {  	s9 =	sadd.s32 $0xFFFFFEF7, lr;
	s5 =	simm.s32 $0xFFFFFFFF;
	p2 =	slt.u32 s8, $0xFFFFF086  }
0x1c: {  	p1 =	slt.u32 s9, $0xF7A;
	s5 =	simm.s32 @!p2 $0x0  }
0x1d: {  	s5 =	simm.s32 @p1 $0x1;
	p0 =	seq.s32 s7, s2  }
0x1e: {  	s7 =	smul.u32 @!p0 $0xF7A, s2;
	p2 =	seq.s32 @!p0 s5, $0x0  }
0x1f: {  	s9 =	smul.u32 $0xF7A, s1;
	s8 =	simm.s32 @!p0 $0x1BF5;
	p2 =	por !p2, p0  }
0x20: {  	[sflag:s8] =	ssyncset.s32 @!p0 $0xFFFFF086;
	s6 =	sadd.s32 @!p0 s3, s7;
	s7 =	simm.s32 @!p0 $0x108  }
0x21: {  	s3 =	sadd.s32 s3, s9;
	s6 =	sadd.s32 @!p0 $0x88, s6;
	s7 =	simm.s32 @p2 $0x1082  }
0x22: {  	[simem:s7], [sflag:s8] =	dma.local @!p0 [hbm:s6], $0xF7A  }
0x23: {  	s9 =	sor.u32 $0xD0000000, s2;
	s6 =	simm.s32 $0x108;
	_ =	swait.ge @!p0 [sflag:s8], $0x0  }
0x24: {  	s3 =	sadd.s32 $0x88, s3;
	s6 =	simm.s32 @!p1 $0x1082;
	[sflag:s4] =	ssyncset.s32 $0xFFFFF086  }
0x25: {  	[simem:s6], [sflag:s4] =	dma.local [hbm:s3], $0xF7A  }
0x26: {  	[smem:$0x3F99] =	sst s1;
	(tag) =	ssettag s2;
	_ =	strace s9  }
0x27: {  	s1 =	sld [smem:$0x3FA9]  }
0x28: {  	s2 =	sld [smem:$0x3FAA]  }
0x29: {  	s4 =	sld [smem:$0x3FAC]  }
0x2a: {  	p0 =	seq.s32 s5, $0x0;
	s5 =	sld [smem:$0x3FAD]  }
0x2b: {  	s6 =	sld [smem:$0x3FAE]  }
0x2c: {  	s7 =	sld [smem:$0x3FAF]  }
0x2d: {  	s3 =	simm.s32 $0x108;
	s8 =	sld [smem:$0x3FB0]  }
0x2e: {  	s3 =	simm.s32 @!p0 $0x1082;
	s9 =	sld [smem:$0x3FB1]  }
0x2f: {  	lr =	sadd.s32 s0, s3;
	s0 =	sld [smem:$0x3FA8]  }
0x30: {  	s3 =	sld [smem:$0x3FAB]  }
0x31: {  	[smem:$0x3FB4] =	sst s10  }
0x32: {  	s10 =	sld [smem:$0x3FB2];
	_ =	sdelay $0x3  }
0x33: {  	p0 =	seq.s32 s10, $0x1;
	s10 =	sld [smem:$0x3FB4];
	_ =	sdelay $0x3  }
0x34: {  	[smem:$0x3FB4] =	sst s10  }
0x35: {  	s10 =	sld [smem:$0x3FB3];
	_ =	sdelay $0x3  }
0x36: {  	p1 =	seq.s32 s10, $0x1;
	s10 =	sld [smem:$0x3FB4];
	_ =	sdelay $0x3  }
0x37: {  	[smem:$0x3FB4] =	sst s10  }
0x38: {  	s10 =	sld [smem:$0x3FB5]  }
0x39: {  	_ = 	snop;
	(pc) =	sbr.ind lr, $3  }
0x3a: {  	_ = 	snop  }
0x3b: {  	_ = 	snop  }
0x3c: {  	p2 =	seq.s32 s10, $0x1;
	s10 =	sld [smem:$0x3FB4]  }
0x3d: {  	_ =	shalt  }
0x3e: {  	_ =	shalt  }
0x3f: {  	_ =	shalt  }
0x40: {  	_ =	shalt  }
0x41: {  	_ =	shalt  }
0x42: {  	_ =	shalt  }
0x43: {  	_ =	shalt  }
0x44: {  	_ =	shalt  }
0x45: {  	_ =	shalt  }
0x46: {  	_ =	shalt  }
0x47: {  	_ =	shalt  }
0x48: {  	_ =	shalt  }
0x49: {  	_ =	shalt  }
0x4a: {  	_ =	shalt  }
0x4b: {  	_ =	shalt  }
0x4c: {  	_ =	shalt  }
0x4d: {  	_ =	shalt  }
0x4e: {  	_ =	shalt  }
0x4f: {  	_ =	shalt  }
0x50: {  	_ =	shalt  }
0x51: {  	_ =	shalt  }
0x52: {  	_ =	shalt  }
0x53: {  	_ =	shalt  }
0x54: {  	_ =	shalt  }
0x55: {  	_ =	shalt  }
0x56: {  	_ =	shalt  }
0x57: {  	_ =	shalt  }
0x58: {  	_ =	shalt  }
0x59: {  	_ =	shalt  }
0x5a: {  	_ =	shalt  }
0x5b: {  	_ =	shalt  }
0x5c: {  	_ =	shalt  }
0x5d: {  	_ =	shalt  }
0x5e: {  	_ =	shalt  }
0x5f: {  	_ =	shalt  }
0x60: {  	_ =	shalt  }
0x61: {  	_ =	shalt  }
0x62: {  	_ =	shalt  }
0x63: {  	_ =	shalt  }
0x64: {  	_ =	shalt  }
0x65: {  	_ =	shalt  }
0x66: {  	_ =	shalt  }
0x67: {  	_ =	shalt  }
0x68: {  	_ =	shalt  }
0x69: {  	_ =	shalt  }
0x6a: {  	_ =	shalt  }
0x6b: {  	_ =	shalt  }
0x6c: {  	_ =	shalt  }
0x6d: {  	_ =	shalt  }
0x6e: {  	_ =	shalt  }
0x6f: {  	_ =	shalt  }
0x70: {  	_ =	shalt  }
0x71: {  	_ =	shalt  }
0x72: {  	_ =	shalt  }
0x73: {  	_ =	shalt  }
0x74: {  	_ =	shalt  }
0x75: {  	_ =	shalt  }
0x76: {  	_ =	shalt  }
0x77: {  	_ =	shalt  }
0x78: {  	_ =	shalt  }
0x79: {  	_ =	shalt  }
0x7a: {  	_ =	shalt  }
0x7b: {  	_ =	shalt  }
0x7c: {  	_ =	shalt  }
0x7d: {  	_ =	shalt  }
0x7e: {  	_ =	shalt  }
0x7f: {  	_ =	shalt  }
0x80: {  	_ =	shalt  }
0x81: {  	_ =	shalt  }
0x82: {  	_ =	shalt  }
0x83: {  	_ =	shalt  }
0x84: {  	_ =	shalt  }
0x85: {  	_ =	shalt  }
0x86: {  	_ =	shalt  }
0x87: {  	_ =	shalt  }
.Lfunc_end0:
.L_simem_size_0:
called_computation_lowered:
.L_overlay_start_0:
0x88: {  	s2 =	sld [smem:$0x3FD9]  }
0x89: {  	s3 =	sld [smem:$0x3FFE];
	_ =	sdelay $0x1  }
0x8a: {  	s1 =	srdreg.scid  }
0x8b: {  	s0 =	sand.u32 $0x1, s1  }
0x8c: {  	s14 =	sshll.u32 s0, $0xA;
	s2 =	sadd.s32 s3, s2  }
0x8d: {  	s2 =	sadd.s32 s2, s14  }
0x8e: {  	[smem:$0x3FC0] =	sst s2  }
0x8f: {  	_ = 	snop  }
0x90: {  	s2 =	sld [smem:$0x3FD0];
	_ =	sdelay $0x2  }
0x91: {  	s4 =	simm.s32 $0xA;
	s5 =	simm.s32 $0x10;
	s15 =	sld [smem:$0x3FC7]  }
0x92: {  	[smem:s5], [sflag:s4] =	dma.local [hbm:s2], $0x1  }
0x93: {  	_ =	swait.eq [sflag:s4], $0x1  }
0x94: {  	[sflag:s4] =	ssyncset.done $0x0  }
0x95: {  	[sflag:s4] =	ssyncadd.s32 $0xFFFFFFFF  }
0x96: {  	s16 =	sld [smem:$0x11];
	(tm) =	ssettm $0x1  }
0x97: {  	s17 =	sld [smem:$0x3FFB];
	_ =	sdelay $0x3  }
0x98: {  	_ =	strace s17  }
0x99: {  	s4 =	sld [smem:$0x3FFC];
	_ =	sdelay $0x3  }
0x9a: {  	_ =	strace s4  }
0x9b: {  	s4 =	sld [smem:$0x3FFD];
	_ =	sdelay $0x3  }
0x9c: {  	_ =	strace s4  }
0x9d: {  	_ =	strace $0x8FFFFFFF  }
0x9e: {  	s18 =	sld [smem:$0x3FDB];
	_ =	sdelay $0x1  }
0x9f: {  	s19 =	simm.s32 $_scs_section_size  }
0xa0: {  	s6 =	simm.s32 $_size__tile_overlayer_lowered;
	s7 =	simm.s32 $_tile_overlayer_lowered  }
0xa1: {  	s22 =	simm.s32 $0x1BFF;
	s21 =	sshll.u32 s7, $0x1;
	s4 =	sadd.s32 s19, s18  }
0xa2: {  	s8 =	simm.s32 $0x0;
	s20 =	sshll.u32 s6, $0x1;
	s6 =	sadd.s32 s21, s4  }
0xa3: {  	[timem:s8], [sflag:s22] =	dma.local [hbm:s6], s20  }
0xa4: {  	_ =	swait.ge [sflag:s22], s20  }
0xa5: {  	s5 =	ssub.s32 $0x0, s20;
	[sflag:s22] =	ssyncset.done $0x0  }
0xa6: {  	[sflag:s22] =	ssyncadd.s32 s5;
	_ =	sdelay $0x1  }
0xa7: {  	s23 =	simm.s32 $0x1B8B  }
0xa8: {  	_ =	swait.ge [sflag:s23], $0x1  }
0xa9: {  	[sflag:s23] =	ssyncset.done $0x0  }
0xaa: {  	s25 =	simm.s32 $0x1B8E;
	s24 =	sld [smem:$0x3FFE];
	[sflag:s23] =	ssyncadd.s32 $0xFFFFFFFF  }
0xab: {  	s26 =	simm.s32 $execute0_lowered;
	[smem:$0x3FD2] =	sst s25  }
0xac: {  	s6 =	sshll.u32 s26, $0x1;
	_ =	strace $0x80000046;
	[dreg:$0x1] =	wrdreg $0xFFFFFFFF  }
0xad: {  	s28 =	simm.s32 $_size_execute0_lowered;
	s4 =	sadd.s32 s4, s6;
	[dreg:$0x0] =	wrdreg $0x0  }
0xae: {  	s6 =	sshll.u32 s28, $0x1;
	[dreg:$0x2] =	wrdreg s4  }
0xaf: {  	[dreg:$0x3] =	wrdreg s6  }
0xb0: {  	[dreg:$0x4] =	wrdreg $0xC0  }
0xb1: {  	_ =	task [dreg:s8], $0x5FFFF  }
0xb2: {  	[dreg:$0x1] =	wrdreg $0xFFFFFFFF  }
0xb3: {  	[dreg:$0x0] =	wrdreg $0x60  }
0xb4: {  	[dreg:$0x2] =	wrdreg s15  }
0xb5: {  	[dreg:$0x3] =	wrdreg s16  }
0xb6: {  	[dreg:$0x4] =	wrdreg s24  }
0xb7: {  	[dreg:$0x5] =	wrdreg $0x9  }
0xb8: {  	_ =	task.clear_ibuf [dreg:s8], $0x6FFFF;
	_ =	strace $0x90000046  }
0xb9: {  	s29 =	simm.s32 $0x9;
	_ =	strace $0x80000048  }
0xba: {  	_ =	swait.ge [sflag:s29], $0x1  }
0xbb: {  	[sflag:s29] =	ssyncadd.s32 $0xFFFFFFFF  }
0xbc: {  	_ =	strace $0x90000048  }
0xbd: {  	_ =	sfence  }
0xbe: {  	s30 =	sld [smem:$0x0];
	_ =	sdelay $0x2  }
0xbf: {  	s31 =	sshll.u32 s1, $0xD;
	s1 =	sshrl.u32 s1, $0x2  }
0xc0: {  	s3 =	sand.u32 $0x4000, s31;
	s1 =	sadd.s32 s1, s30  }
0xc1: {  	s0 =	sor.u32 s3, s0;
	s1 =	sshll.u32 s1, $0x11  }
0xc2: {  	s0 =	sor.u32 s1, s0  }
0xc3: {  	s0 =	sadd.s32 $0x8F2B, s0  }
0xc4: {  	[sflag:s0] =	ssyncadd.remote.s32 $0x1  }
0xc5: {  	_ =	sfence.sel $0xFFFF  }
0xc6: {  	[dreg:$0x0] =	wrdreg $0xFFFFFFFF;
	(pc) =	sbr.abs _section_cstart, $3  }
0xc7: {  	[dreg:$0x1] =	wrdreg $0xFFFFFFFF  }
0xc8: {  	_ =	task.clear_ibuf [dreg:s8], $0x2FFFF;
	_ =	strace $0x9FFFFFFF  }
0xc9: {  	(tm) =	ssettm $0x7FFFFFFF  }
tec
execute0_lowered:
.L_overlay_start_1:
0x0: {  	(tag) =	ssettag $0x1  }
0x1: {  	s10 =	rddreg [dreg:$0x0]  }
0x2: {  	s5 =	rddreg [dreg:$0x2];
	s4 =	srdreg.scid;
	s3 =	simm.s32 $0x0  }
0x3: {  	s0 =	stileid.u32;
	s13 =	simm.s32 $0x3;
	s14 =	simm.s32 $0x200  }
0x4: {  	s15 =	simm.s32 $0x400;
	s16 =	simm.s32 $0x2000;
	s17 =	simm.s32 $0x1  }
0x5: {  	v0 =	vlaneseq.u32;
	s18 =	simm.s32 $0xA000;
	s19 =	simm.s32 $0x2;
	s20 =	simm.s32 $0x12080  }
0x6: {  	s22 =	simm.s32 $0x0;
	s4 =	sand.u32 $0x1, s4;
	[smem:$0x7FF] =	sst s3;
	v0 =	vmul.u32 $0x80, v0  }
0x7: {  	s6 =	sshll.u32 s0, $0x7;
	s9 =	sadd.s32 $0x2040, s10;
	s7 =	sshll.u32 s4, $0x6  }
0x8: {  	_ =	strace $0x80000047;
	s8 =	ssub.s32 $0x2, s4;
	s6 =	sor.u32 s7, s6;
	v1 =	vor.u32 $0x1, v0;
	v2 =	vor.u32 $0x2, v0;
	v3 =	vor.u32 $0x3, v0  }
0x9: {  	s31 =	sshrl.u32 s8, $0x1;
	v4 =	vor.u32 $0x4, v0;
	v5 =	vor.u32 $0x5, v0;
	v6 =	vor.u32 $0x6, v0;
	s7 =	sshrl.u32 s6, $0x3;
	s4 =	sor.u32 $0x1800, s6  }
0xa: {  	v7 =	vor.u32 $0x7, v0;
	v8 =	vor.u32 $0x8, v0;
	v9 =	vor.u32 $0x9, v0;
	s12 =	ssub.s32 s8, s31;
	s8 =	sadd.s32 $0x2000, s10;
	s11 =	sadd.s32 s7, s5  }
0xb: {  	v10 =	vor.u32 $0xA, v0;
	v11 =	vor.u32 $0xB, v0;
	v12 =	vor.u32 $0xC, v0;
	s5 =	sshll.u32 s4, $0xA;
	s7 =	sadd.s32 $0x40, s10;
	s12 =	smax.u32 s12, $0x1  }
0xc: {  	v13 =	vor.u32 $0xD, v0;
	v14 =	vor.u32 $0xE, v0;
	v15 =	vor.u32 $0xF, v0;
	s6 =	sadd.s32 s10, s5;
	s10 =	sadd.s32 $0x4000, s10;
	s11 =	sadd.s32 $0xA00, s11  }
.LBB2_1:
0xd: {  	s0 =	rddreg [dreg:$0x1]  }
0xe: {  	[tilespmem:s3], [sflag:$0x3] =	stream.linear.gather [hbm4b:s0+s3], $0x2000, $0x38;
	[tilespmem:$0x12880] =	vst v63  }
0xf: {  	_ =	swait.ge [sflag:s13], $0x2000  }
0x10: {  	[sflag:s13] =	ssyncset.done $0x0  }
0x11: {  	s23 =	simm.s32 $0x0;
	[sflag:s13] =	ssyncadd.s32 $0xFFFFE000  }
0x12: {  	[tilespmem:s16], [sflag:$0x1] =	stream.strided.gather [hbm4b:s6+s14], $0x8000, s15, s14, $0x38;
	[tilespmem:$0x12880] =	vst v63  }
.LBB2_2:
0x13: {  	s24 =	sshll.u32 s23, $0x4  }
0x14: {  	s25 =	sadd.s32 s4, s24  }
0x15: {  	_ =	swait.ge [sflag:s17], $0x8000;
	s25 =	sshll.u32 s25, $0xA  }
0x16: {  	[sflag:s17] =	ssyncset.done $0x0;
	s25 =	sand.u32 $0x1FFFC000, s25  }
0x17: {  	[sflag:s17] =	ssyncadd.s32 $0xFFFF8000;
	s25 =	sadd.s32 s25, s7  }
0x18: {  	[tilespmem:s18], [sflag:$0x2] =	stream.strided.gather [hbm4b:s25+s14], $0x8000, s15, s14, $0x38;
	[tilespmem:$0x12880] =	vst v63  }
0x19: {  	s25 =	simm.s32 $0x0  }
0x1a: {  	s26 =	sand.u32 $0x7E00, s25  }
0x1b: {  	s29 =	simm.s32 $0x0;
	s28 =	sand.u32 $0x40, s25;
	s26 =	sadd.s32 $0x2000, s26  }
0x1c: {  	v18 =	vld [tilespmem:s29+$0x0];
	s29 =	sor.u32 s28, s26  }
0x1d: {  	s30 =	sand.u32 $0x1F80, s25;
	s31 =	sor.u32 $0x30, s28;
	v20 =	vld [tilespmem:s29+$0x0]  }
0x1e: {  	s21 =	sor.u32 $0x10, s28;
	s0 =	sor.u32 s31, s30;
	v21 =	vld [tilespmem:s29+$0x80]  }
0x1f: {  	s29 =	sor.u32 $0x20, s28;
	v16 =	vld [tilespmem:s0+$0x0];
	s28 =	sor.u32 s21, s30  }
0x20: {  	s2 =	sor.u32 s29, s30;
	v19 =	vld [tilespmem:s28+$0x0]  }
0x21: {  	v17 =	vld [tilespmem:s2+$0x0];
	s2 =	sor.u32 s31, s26  }
0x22: {  	v22 =	vld [tilespmem:s2+$0x0]  }
0x23: {  	p0 =	por $0x0, $0x0;
	s28 =	simm.s32 $0x1;
	s31 =	sor.u32 s29, s26;
	v23 =	vld [tilespmem:s2+$0x80]  }
0x24: {  	s28 =	simm.s32 @!p0 $0x0;
	v24 =	vld [tilespmem:s31+$0x0]  }
0x25: {  	s28 =	sshll.u32 s28, $0x6;
	s2 =	sor.u32 s21, s26;
	v27 =	vld [tilespmem:s31+$0x80]  }
0x26: {  	s28 =	sadd.s32 $0x0, s28;
	v28 =	vld [tilespmem:s2+$0x0]  }
0x27: {  	v32 =	vld [tilespmem:s2+$0x80];
	s1 =	sor.u32 $0x100, s28  }
0x28: {  	v31 =	vcvt.s32.f32 v20;
	s21 =	sor.u32 $0x180, s28;
	s26 =	sadd.s32 $0x30, s28;
	v34 =	vcvt.s32.f32 v21;
	v26 =	vld [tilespmem:s1+$0x2000]  }
0x29: {  	v20 =	vimm.f32 $0.0e+00;
	v21 =	vimm.f32 $0.0e+00;
	v33 =	vld [tilespmem:s21+$0x2000];
	s31 =	sor.u32 $0x100, s26;
	v29 =	vcvt.s32.f32 v22  }
0x2a: {  	s29 =	sadd.s32 $0x20, s28;
	s30 =	sor.u32 $0x180, s26;
	s26 =	simm.s32 $0x100;
	v25 =	vld [tilespmem:s31+$0x2000];
	v30 =	vcvt.s32.f32 v23;
	v22 =	vimm.f32 $0.0e+00;
	v23 =	vimm.f32 $0.0e+00  }
.LBB2_3:
0x2b: {  	p1 =	sne.s32 s26, $0x7F00;
	v24 =	vcvt.s32.f32 v24;
	v27 =	vcvt.s32.f32 v27;
	s0 =	sor.u32 $0x100, s29;
	v35 =	vld [tilespmem:s30+$0x2000]  }
0x2c: {  	v28 =	vcvt.s32.f32 v28;
	s2 =	sadd.s32 $0x10, s28;
	v32 =	vcvt.s32.f32 v32;
	v36 =	vld [tilespmem:s0+$0x2000];
	s0 =	sor.u32 $0x180, s29  }
0x2d: {  	v31 =	vmul.f32 v31, v18;
	v34 =	vmul.f32 v34, v18;
	s28 =	sor.u32 $0x100, s2;
	v37 =	vld [tilespmem:s0+$0x2000]  }
0x2e: {  	s25 =	sadd.s32 $0x40, s25;
	s2 =	sor.u32 $0x180, s2;
	s0 =	sand.u32 $0x7E00, s26;
	v26 =	vcvt.s32.f32 v26;
	v33 =	vcvt.s32.f32 v33;
	v38 =	vld [tilespmem:s28+$0x2000]  }
0x2f: {  	s29 =	sshra.s32 s26, $0x2;
	v29 =	vmul.f32 v29, v16;
	v30 =	vmul.f32 v30, v16;
	s28 =	sand.u32 $0x40, s25;
	s0 =	sadd.s32 $0x2000, s0;
	v39 =	vld [tilespmem:s2+$0x2000]  }
0x30: {  	v41 =	vmul.f32 v24, v17;
	v42 =	vmul.f32 v27, v17;
	s2 =	sor.u32 s28, s0;
	v40 =	vld [tilespmem:s29+$0x0]  }
0x31: {  	s30 =	sor.u32 $0x30, s28;
	v25 =	vcvt.s32.f32 v25;
	s29 =	sand.u32 $0x1F80, s25;
	v35 =	vcvt.s32.f32 v35;
	v43 =	vld [tilespmem:s2+$0x0]  }
0x32: {  	v27 =	vmul.f32 v28, v19;
	v28 =	vmul.f32 v32, v19;
	s31 =	sor.u32 s30, s29;
	v44 =	vld [tilespmem:s2+$0x80];
	s2 =	sor.u32 $0x20, s28  }
0x33: {  	v32 =	vcvt.s32.f32 v36;
	v36 =	vcvt.s32.f32 v37;
	s1 =	sor.u32 s2, s29;
	v45 =	vld [tilespmem:s31+$0x0]  }
0x34: {  	v24 =	vcvt.s32.f32 v38;
	v37 =	vld [tilespmem:s1+$0x0];
	s1 =	sor.u32 s30, s0;
	v38 =	vcvt.s32.f32 v39  }
0x35: {  	v26 =	vmul.f32 v26, v18;
	v33 =	vmul.f32 v33, v18;
	s28 =	sor.u32 $0x10, s28;
	v39 =	vld [tilespmem:s1+$0x0];
	v18 =	vmov v40  }
0x36: {  	v20 =	vadd.f32 v31, v20;
	v22 =	vadd.f32 v34, v22;
	s29 =	sor.u32 s28, s29;
	v31 =	vmul.f32 v24, v19;
	v40 =	vld [tilespmem:s1+$0x80]  }
0x37: {  	p0 =	por !p0, !p0;
	v23 =	vadd.f32 v26, v23;
	v21 =	vadd.f32 v33, v21;
	s1 =	sor.u32 s2, s0;
	v26 =	vmul.f32 v38, v19;
	s2 =	simm.s32 $0x1;
	v19 =	vld [tilespmem:s29+$0x0]  }
0x38: {  	v20 =	vadd.f32 v27, v20;
	v22 =	vadd.f32 v28, v22;
	v33 =	vmul.f32 v32, v17;
	s2 =	simm.s32 @!p0 $0x0;
	v24 =	vld [tilespmem:s1+$0x0]  }
0x39: {  	s0 =	sor.u32 s28, s0;
	v23 =	vadd.f32 v31, v23;
	s2 =	sshll.u32 s2, $0x6;
	v21 =	vadd.f32 v26, v21;
	v26 =	vmul.f32 v36, v17;
	v27 =	vld [tilespmem:s1+$0x80];
	v17 =	vmovc v37  }
.Ltmp0:
0x3a: {  	v20 =	vadd.f32 v41, v20;
	v25 =	vmul.f32 v25, v16;
	v22 =	vadd.f32 v42, v22;
	s28 =	sadd.s32 s2, s26;
	v28 =	vld [tilespmem:s0+$0x0];
	(pc) =	sbr.rel @p1 .LBB2_3-.Ltmp0, $4  }
0x3b: {  	v35 =	vmul.f32 v35, v16;
	v16 =	vmovc v45;
	v23 =	vadd.f32 v33, v23;
	s1 =	sor.u32 $0x100, s28;
	v21 =	vadd.f32 v26, v21;
	v32 =	vld [tilespmem:s0+$0x80]  }
0x3c: {  	v20 =	vadd.f32 v29, v20;
	v22 =	vadd.f32 v30, v22;
	v31 =	vcvt.s32.f32 v43;
	s0 =	sor.u32 $0x180, s28;
	v26 =	vld [tilespmem:s1+$0x2000];
	s1 =	sadd.s32 $0x30, s28  }
0x3d: {  	v34 =	vcvt.s32.f32 v44;
	v23 =	vadd.f32 v25, v23;
	v21 =	vadd.f32 v35, v21;
	v33 =	vld [tilespmem:s0+$0x2000];
	s0 =	sor.u32 $0x100, s1  }
0x3e: {  	s26 =	sadd.s32 $0x100, s26;
	s29 =	sadd.s32 $0x20, s28;
	v29 =	vcvt.s32.f32 v39;
	v30 =	vcvt.s32.f32 v40;
	s30 =	sor.u32 $0x180, s1;
	v25 =	vld [tilespmem:s0+$0x2000]  }
0x3f: {  	v24 =	vcvt.s32.f32 v24  }
0x40: {  	v27 =	vcvt.s32.f32 v27;
	v28 =	vcvt.s32.f32 v28  }
0x41: {  	s0 =	sor.u32 $0x100, s29;
	v35 =	vld [tilespmem:s30+$0x2000];
	s1 =	sadd.s32 $0x10, s28;
	v31 =	vmul.f32 v31, v18;
	v34 =	vmul.f32 v34, v18  }
0x42: {  	v32 =	vcvt.s32.f32 v32;
	v36 =	vld [tilespmem:s0+$0x2000];
	s2 =	sor.u32 $0x100, s1;
	v29 =	vmul.f32 v29, v16  }
0x43: {  	s26 =	sor.u32 $0x180, s1;
	v30 =	vmul.f32 v30, v16;
	v26 =	vcvt.s32.f32 v26;
	v38 =	vld [tilespmem:s2+$0x2000]  }
0x44: {  	s25 =	sor.u32 $0x180, s29;
	v39 =	vld [tilespmem:s26+$0x2000];
	v24 =	vmul.f32 v24, v17;
	v27 =	vmul.f32 v27, v17  }
0x45: {  	v37 =	vld [tilespmem:s25+$0x2000];
	v28 =	vmul.f32 v28, v19;
	v33 =	vcvt.s32.f32 v33  }
0x46: {  	v32 =	vmul.f32 v32, v19;
	v25 =	vcvt.s32.f32 v25  }
0x47: {  	v20 =	vadd.f32 v31, v20;
	v26 =	vmul.f32 v26, v18;
	v35 =	vcvt.s32.f32 v35  }
0x48: {  	v22 =	vadd.f32 v34, v22;
	v18 =	vmul.f32 v33, v18;
	v38 =	vcvt.s32.f32 v38  }
0x49: {  	v20 =	vadd.f32 v28, v20;
	v36 =	vcvt.s32.f32 v36;
	v31 =	vcvt.s32.f32 v39  }
0x4a: {  	v37 =	vcvt.s32.f32 v37;
	v23 =	vadd.f32 v26, v23;
	v63 =	vmul.f32 v38, v19  }
0x4b: {  	v18 =	vadd.f32 v18, v21;
	v21 =	vadd.f32 v32, v22;
	v19 =	vmul.f32 v31, v19  }
0x4c: {  	v20 =	vadd.f32 v24, v20;
	v22 =	vmul.f32 v36, v17;
	v23 =	vadd.f32 v63, v23  }
0x4d: {  	v17 =	vmul.f32 v37, v17;
	v18 =	vadd.f32 v19, v18;
	v19 =	vadd.f32 v27, v21  }
0x4e: {  	v20 =	vadd.f32 v29, v20;
	v21 =	vmul.f32 v25, v16;
	v22 =	vadd.f32 v22, v23  }
0x4f: {  	v16 =	vmul.f32 v35, v16;
	v17 =	vadd.f32 v17, v18;
	v18 =	vadd.f32 v30, v19  }
0x50: {  	[tilespmem:$0x12080] =	vst v20;
	v19 =	vadd.f32 v21, v22  }
0x51: {  	v16 =	vadd.f32 v16, v17;
	[tilespmem:$0x12100] =	vst v18  }
0x52: {  	s1 =	sshll.u32 s23, $0xE;
	[tilespmem:$0x12180] =	vst v19  }
0x53: {  	s21 =	simm.s32 $0x0;
	s25 =	sadd.s32 s5, s1;
	[tilespmem:$0x12200] =	vst v16  }
0x54: {  	s26 =	simm.s32 $0x0;
	s0 =	sadd.s32 s25, s8;
	_ =	swait.ge [sflag:s19], $0x8000  }
0x55: {  	s2 =	sand.u32 $0x7E00, s26;
	s1 =	sand.u32 $0x40, s26;
	[sflag:s19] =	ssyncset.done $0x0  }
0x56: {  	s28 =	sand.u32 $0x1F80, s26;
	s29 =	sor.u32 $0x30, s1;
	[sflag:s19] =	ssyncadd.s32 $0xFFFF8000  }
0x57: {  	[tilespmem:s16], [sflag:$0x1] =	stream.strided.gather [hbm4b:s0+s14], $0x8000, s15, s14, $0x38;
	[tilespmem:$0x12880] =	vst v63  }
0x58: {  	s30 =	sor.u32 s29, s28;
	s0 =	sadd.s32 $0xA000, s2;
	v18 =	vld [tilespmem:s21+$0x0]  }
0x59: {  	s21 =	sor.u32 s1, s0;
	v16 =	vld [tilespmem:s30+$0x0]  }
0x5a: {  	v20 =	vld [tilespmem:s21+$0x0]  }
0x5b: {  	s29 =	sor.u32 s29, s0;
	v21 =	vld [tilespmem:s21+$0x80]  }
0x5c: {  	s21 =	sor.u32 $0x20, s1;
	v22 =	vld [tilespmem:s29+$0x0]  }
0x5d: {  	s1 =	sor.u32 $0x10, s1;
	v23 =	vld [tilespmem:s29+$0x80];
	s31 =	sor.u32 s21, s28  }
0x5e: {  	s28 =	sor.u32 s1, s28;
	v17 =	vld [tilespmem:s31+$0x0]  }
0x5f: {  	p0 =	por $0x0, $0x0;
	s2 =	sor.u32 s21, s0;
	v19 =	vld [tilespmem:s28+$0x0];
	s28 =	simm.s32 $0x1  }
0x60: {  	v24 =	vld [tilespmem:s2+$0x0];
	s28 =	simm.s32 @!p0 $0x0  }
0x61: {  	s0 =	sor.u32 s1, s0;
	v27 =	vld [tilespmem:s2+$0x80];
	s28 =	sshll.u32 s28, $0x6  }
0x62: {  	v28 =	vld [tilespmem:s0+$0x0];
	s29 =	sadd.s32 $0x0, s28  }
0x63: {  	v32 =	vld [tilespmem:s0+$0x80];
	s21 =	sor.u32 $0x100, s29  }
0x64: {  	v31 =	vcvt.s32.f32 v20;
	v34 =	vcvt.s32.f32 v21;
	s1 =	sor.u32 $0x180, s29;
	s2 =	sadd.s32 $0x30, s29;
	v26 =	vld [tilespmem:s21+$0xA000]  }
0x65: {  	v20 =	vimm.f32 $0.0e+00;
	v29 =	vcvt.s32.f32 v22;
	v30 =	vcvt.s32.f32 v23;
	v33 =	vld [tilespmem:s1+$0xA000];
	s21 =	sor.u32 $0x100, s2  }
0x66: {  	s28 =	simm.s32 $0x100;
	v22 =	vimm.f32 $0.0e+00;
	v23 =	vimm.f32 $0.0e+00;
	v21 =	vimm.f32 $0.0e+00;
	s30 =	sadd.s32 $0x20, s29;
	s31 =	sor.u32 $0x180, s2;
	v25 =	vld [tilespmem:s21+$0xA000]  }
.LBB2_5:
0x67: {  	p1 =	sne.s32 s28, $0x7F00;
	v24 =	vcvt.s32.f32 v24;
	v27 =	vcvt.s32.f32 v27;
	s0 =	sor.u32 $0x100, s30;
	v35 =	vld [tilespmem:s31+$0xA000]  }
0x68: {  	v28 =	vcvt.s32.f32 v28;
	s1 =	sadd.s32 $0x10, s29;
	v32 =	vcvt.s32.f32 v32;
	v36 =	vld [tilespmem:s0+$0xA000];
	s0 =	sor.u32 $0x180, s30  }
0x69: {  	v31 =	vmul.f32 v31, v18;
	v34 =	vmul.f32 v34, v18;
	s2 =	sor.u32 $0x100, s1;
	v37 =	vld [tilespmem:s0+$0xA000]  }
0x6a: {  	s26 =	sadd.s32 $0x40, s26;
	s1 =	sor.u32 $0x180, s1;
	s0 =	sand.u32 $0x7E00, s28;
	v26 =	vcvt.s32.f32 v26;
	v33 =	vcvt.s32.f32 v33;
	v38 =	vld [tilespmem:s2+$0xA000]  }
0x6b: {  	s29 =	sshra.s32 s28, $0x2;
	v29 =	vmul.f32 v29, v16;
	v30 =	vmul.f32 v30, v16;
	s2 =	sand.u32 $0x40, s26;
	s0 =	sadd.s32 $0xA000, s0;
	v39 =	vld [tilespmem:s1+$0xA000]  }
0x6c: {  	v41 =	vmul.f32 v24, v17;
	v42 =	vmul.f32 v27, v17;
	s1 =	sor.u32 s2, s0;
	v40 =	vld [tilespmem:s29+$0x0]  }
0x6d: {  	s30 =	sor.u32 $0x30, s2;
	v25 =	vcvt.s32.f32 v25;
	s29 =	sand.u32 $0x1F80, s26;
	v35 =	vcvt.s32.f32 v35;
	v43 =	vld [tilespmem:s1+$0x0]  }
0x6e: {  	v27 =	vmul.f32 v28, v19;
	v28 =	vmul.f32 v32, v19;
	s31 =	sor.u32 s30, s29;
	v44 =	vld [tilespmem:s1+$0x80];
	s1 =	sor.u32 $0x20, s2  }
0x6f: {  	v32 =	vcvt.s32.f32 v36;
	v36 =	vcvt.s32.f32 v37;
	s21 =	sor.u32 s1, s29;
	v45 =	vld [tilespmem:s31+$0x0]  }
0x70: {  	v24 =	vcvt.s32.f32 v38;
	v37 =	vld [tilespmem:s21+$0x0];
	s21 =	sor.u32 s30, s0;
	v38 =	vcvt.s32.f32 v39  }
0x71: {  	v26 =	vmul.f32 v26, v18;
	v33 =	vmul.f32 v33, v18;
	s2 =	sor.u32 $0x10, s2;
	v39 =	vld [tilespmem:s21+$0x0];
	v18 =	vmov v40  }
0x72: {  	v20 =	vadd.f32 v31, v20;
	v22 =	vadd.f32 v34, v22;
	s29 =	sor.u32 s2, s29;
	v31 =	vmul.f32 v24, v19;
	v40 =	vld [tilespmem:s21+$0x80]  }
0x73: {  	p0 =	por !p0, !p0;
	v23 =	vadd.f32 v26, v23;
	v21 =	vadd.f32 v33, v21;
	s1 =	sor.u32 s1, s0;
	v26 =	vmul.f32 v38, v19;
	s21 =	simm.s32 $0x1;
	v19 =	vld [tilespmem:s29+$0x0]  }
0x74: {  	v20 =	vadd.f32 v27, v20;
	v22 =	vadd.f32 v28, v22;
	v33 =	vmul.f32 v32, v17;
	s21 =	simm.s32 @!p0 $0x0;
	v24 =	vld [tilespmem:s1+$0x0]  }
0x75: {  	s0 =	sor.u32 s2, s0;
	v23 =	vadd.f32 v31, v23;
	s21 =	sshll.u32 s21, $0x6;
	v21 =	vadd.f32 v26, v21;
	v26 =	vmul.f32 v36, v17;
	v27 =	vld [tilespmem:s1+$0x80];
	v17 =	vmovc v37  }
.Ltmp1:
0x76: {  	v20 =	vadd.f32 v41, v20;
	v25 =	vmul.f32 v25, v16;
	v22 =	vadd.f32 v42, v22;
	s29 =	sadd.s32 s21, s28;
	v28 =	vld [tilespmem:s0+$0x0];
	(pc) =	sbr.rel @p1 .LBB2_5-.Ltmp1, $4  }
0x77: {  	v35 =	vmul.f32 v35, v16;
	v16 =	vmovc v45;
	v23 =	vadd.f32 v33, v23;
	s1 =	sor.u32 $0x100, s29;
	v21 =	vadd.f32 v26, v21;
	v32 =	vld [tilespmem:s0+$0x80]  }
0x78: {  	v20 =	vadd.f32 v29, v20;
	v22 =	vadd.f32 v30, v22;
	v31 =	vcvt.s32.f32 v43;
	s0 =	sor.u32 $0x180, s29;
	v26 =	vld [tilespmem:s1+$0xA000];
	s1 =	sadd.s32 $0x30, s29  }
0x79: {  	v34 =	vcvt.s32.f32 v44;
	v23 =	vadd.f32 v25, v23;
	v21 =	vadd.f32 v35, v21;
	v33 =	vld [tilespmem:s0+$0xA000];
	s0 =	sor.u32 $0x100, s1  }
0x7a: {  	s28 =	sadd.s32 $0x100, s28;
	s30 =	sadd.s32 $0x20, s29;
	v29 =	vcvt.s32.f32 v39;
	v30 =	vcvt.s32.f32 v40;
	s31 =	sor.u32 $0x180, s1;
	v25 =	vld [tilespmem:s0+$0xA000]  }
0x7b: {  	v24 =	vcvt.s32.f32 v24  }
0x7c: {  	v27 =	vcvt.s32.f32 v27;
	v28 =	vcvt.s32.f32 v28  }
0x7d: {  	s0 =	sor.u32 $0x100, s30;
	v35 =	vld [tilespmem:s31+$0xA000];
	s1 =	sadd.s32 $0x10, s29;
	v31 =	vmul.f32 v31, v18;
	v34 =	vmul.f32 v34, v18  }
0x7e: {  	v32 =	vcvt.s32.f32 v32;
	v36 =	vld [tilespmem:s0+$0xA000];
	s2 =	sor.u32 $0x100, s1;
	v29 =	vmul.f32 v29, v16  }
0x7f: {  	s26 =	sor.u32 $0x180, s1;
	v30 =	vmul.f32 v30, v16;
	v26 =	vcvt.s32.f32 v26;
	v38 =	vld [tilespmem:s2+$0xA000]  }
0x80: {  	s21 =	sor.u32 $0x180, s30;
	v39 =	vld [tilespmem:s26+$0xA000];
	v24 =	vmul.f32 v24, v17;
	v27 =	vmul.f32 v27, v17  }
0x81: {  	v37 =	vld [tilespmem:s21+$0xA000];
	v28 =	vmul.f32 v28, v19;
	v33 =	vcvt.s32.f32 v33  }
0x82: {  	v32 =	vmul.f32 v32, v19;
	v25 =	vcvt.s32.f32 v25  }
0x83: {  	v20 =	vadd.f32 v31, v20;
	v26 =	vmul.f32 v26, v18;
	v35 =	vcvt.s32.f32 v35  }
0x84: {  	v22 =	vadd.f32 v34, v22;
	v18 =	vmul.f32 v33, v18;
	v38 =	vcvt.s32.f32 v38  }
0x85: {  	v20 =	vadd.f32 v28, v20;
	v36 =	vcvt.s32.f32 v36;
	v31 =	vcvt.s32.f32 v39  }
0x86: {  	v37 =	vcvt.s32.f32 v37;
	v23 =	vadd.f32 v26, v23;
	v63 =	vmul.f32 v38, v19  }
0x87: {  	v18 =	vadd.f32 v18, v21;
	v21 =	vadd.f32 v32, v22;
	v19 =	vmul.f32 v31, v19  }
0x88: {  	v20 =	vadd.f32 v24, v20;
	v22 =	vmul.f32 v36, v17;
	v23 =	vadd.f32 v63, v23  }
0x89: {  	v17 =	vmul.f32 v37, v17;
	v18 =	vadd.f32 v19, v18;
	v19 =	vadd.f32 v27, v21  }
0x8a: {  	v20 =	vadd.f32 v29, v20;
	v21 =	vmul.f32 v25, v16;
	v22 =	vadd.f32 v22, v23  }
0x8b: {  	v16 =	vmul.f32 v35, v16;
	v17 =	vadd.f32 v17, v18;
	v18 =	vadd.f32 v30, v19  }
0x8c: {  	[tilespmem:$0x12280] =	vst v20;
	v19 =	vadd.f32 v21, v22  }
0x8d: {  	v16 =	vadd.f32 v16, v17;
	[tilespmem:$0x12300] =	vst v18  }
0x8e: {  	[tilespmem:$0x12380] =	vst v19  }
0x8f: {  	[tilespmem:$0x12400] =	vst v16  }
0x90: {  	_ =	swait.ge [sflag:s17], $0x8000  }
0x91: {  	s26 =	simm.s32 $0x0;
	[sflag:s17] =	ssyncset.done $0x0  }
0x92: {  	s1 =	sadd.s32 s25, s9;
	s2 =	sand.u32 $0x7E00, s26;
	[sflag:s17] =	ssyncadd.s32 $0xFFFF8000  }
0x93: {  	[tilespmem:s18], [sflag:$0x2] =	stream.strided.gather [hbm4b:s1+s14], $0x8000, s15, s14, $0x38;
	[tilespmem:$0x12880] =	vst v63  }
0x94: {  	s21 =	simm.s32 $0x0;
	s0 =	sadd.s32 $0x2000, s2;
	s1 =	sand.u32 $0x40, s26  }
0x95: {  	v18 =	vld [tilespmem:s21+$0x0];
	s2 =	sor.u32 s1, s0  }
0x96: {  	s21 =	sand.u32 $0x1F80, s26;
	s28 =	sor.u32 $0x30, s1;
	v20 =	vld [tilespmem:s2+$0x0]  }
0x97: {  	v21 =	vld [tilespmem:s2+$0x80];
	s29 =	sor.u32 s28, s21  }
0x98: {  	s28 =	sor.u32 s28, s0;
	v16 =	vld [tilespmem:s29+$0x0]  }
0x99: {  	s2 =	sor.u32 $0x20, s1;
	v22 =	vld [tilespmem:s28+$0x0]  }
0x9a: {  	s1 =	sor.u32 $0x10, s1;
	s30 =	sor.u32 s2, s21;
	v23 =	vld [tilespmem:s28+$0x80]  }
0x9b: {  	s21 =	sor.u32 s1, s21;
	v17 =	vld [tilespmem:s30+$0x0]  }
0x9c: {  	p0 =	por $0x0, $0x0;
	s2 =	sor.u32 s2, s0;
	v19 =	vld [tilespmem:s21+$0x0];
	s21 =	simm.s32 $0x1  }
0x9d: {  	v24 =	vld [tilespmem:s2+$0x0];
	s21 =	simm.s32 @!p0 $0x0  }
0x9e: {  	s0 =	sor.u32 s1, s0;
	v27 =	vld [tilespmem:s2+$0x80];
	s21 =	sshll.u32 s21, $0x6  }
0x9f: {  	v28 =	vld [tilespmem:s0+$0x0];
	s29 =	sadd.s32 $0x0, s21  }
0xa0: {  	v32 =	vld [tilespmem:s0+$0x80];
	s21 =	sor.u32 $0x100, s29  }
0xa1: {  	v31 =	vcvt.s32.f32 v20;
	v34 =	vcvt.s32.f32 v21;
	s1 =	sor.u32 $0x180, s29;
	s2 =	sadd.s32 $0x30, s29;
	v26 =	vld [tilespmem:s21+$0x2000]  }
0xa2: {  	v20 =	vimm.f32 $0.0e+00;
	v21 =	vimm.f32 $0.0e+00;
	v29 =	vcvt.s32.f32 v22;
	v33 =	vld [tilespmem:s1+$0x2000];
	s21 =	sor.u32 $0x100, s2  }
0xa3: {  	s28 =	simm.s32 $0x100;
	v30 =	vcvt.s32.f32 v23;
	s30 =	sadd.s32 $0x20, s29;
	v22 =	vimm.f32 $0.0e+00;
	v23 =	vimm.f32 $0.0e+00;
	s31 =	sor.u32 $0x180, s2;
	v25 =	vld [tilespmem:s21+$0x2000]  }
.LBB2_7:
0xa4: {  	p1 =	sne.s32 s28, $0x7F00;
	v24 =	vcvt.s32.f32 v24;
	v27 =	vcvt.s32.f32 v27;
	s0 =	sor.u32 $0x100, s30;
	v35 =	vld [tilespmem:s31+$0x2000]  }
0xa5: {  	v28 =	vcvt.s32.f32 v28;
	s1 =	sadd.s32 $0x10, s29;
	v32 =	vcvt.s32.f32 v32;
	v36 =	vld [tilespmem:s0+$0x2000];
	s0 =	sor.u32 $0x180, s30  }
0xa6: {  	v31 =	vmul.f32 v31, v18;
	v34 =	vmul.f32 v34, v18;
	s2 =	sor.u32 $0x100, s1;
	v37 =	vld [tilespmem:s0+$0x2000]  }
0xa7: {  	s26 =	sadd.s32 $0x40, s26;
	s1 =	sor.u32 $0x180, s1;
	s0 =	sand.u32 $0x7E00, s28;
	v26 =	vcvt.s32.f32 v26;
	v33 =	vcvt.s32.f32 v33;
	v38 =	vld [tilespmem:s2+$0x2000]  }
0xa8: {  	s21 =	sshra.s32 s28, $0x2;
	v29 =	vmul.f32 v29, v16;
	v30 =	vmul.f32 v30, v16;
	s2 =	sand.u32 $0x40, s26;
	s0 =	sadd.s32 $0x2000, s0;
	v39 =	vld [tilespmem:s1+$0x2000]  }
0xa9: {  	v41 =	vmul.f32 v24, v17;
	v42 =	vmul.f32 v27, v17;
	s1 =	sor.u32 s2, s0;
	v40 =	vld [tilespmem:s21+$0x0]  }
0xaa: {  	s29 =	sor.u32 $0x30, s2;
	v25 =	vcvt.s32.f32 v25;
	s21 =	sand.u32 $0x1F80, s26;
	v35 =	vcvt.s32.f32 v35;
	v43 =	vld [tilespmem:s1+$0x0]  }
0xab: {  	v27 =	vmul.f32 v28, v19;
	v28 =	vmul.f32 v32, v19;
	s30 =	sor.u32 s29, s21;
	v44 =	vld [tilespmem:s1+$0x80];
	s1 =	sor.u32 $0x20, s2  }
0xac: {  	v32 =	vcvt.s32.f32 v36;
	v36 =	vcvt.s32.f32 v37;
	s31 =	sor.u32 s1, s21;
	v45 =	vld [tilespmem:s30+$0x0]  }
0xad: {  	s29 =	sor.u32 s29, s0;
	v24 =	vcvt.s32.f32 v38;
	v37 =	vld [tilespmem:s31+$0x0];
	v38 =	vcvt.s32.f32 v39  }
0xae: {  	v26 =	vmul.f32 v26, v18;
	v33 =	vmul.f32 v33, v18;
	s2 =	sor.u32 $0x10, s2;
	v39 =	vld [tilespmem:s29+$0x0];
	v18 =	vmov v40  }
0xaf: {  	v20 =	vadd.f32 v31, v20;
	v22 =	vadd.f32 v34, v22;
	s21 =	sor.u32 s2, s21;
	v31 =	vmul.f32 v24, v19;
	v40 =	vld [tilespmem:s29+$0x80]  }
0xb0: {  	p0 =	por !p0, !p0;
	v23 =	vadd.f32 v26, v23;
	v21 =	vadd.f32 v33, v21;
	s1 =	sor.u32 s1, s0;
	v26 =	vmul.f32 v38, v19;
	v19 =	vld [tilespmem:s21+$0x0];
	s21 =	simm.s32 $0x1  }
0xb1: {  	v20 =	vadd.f32 v27, v20;
	v22 =	vadd.f32 v28, v22;
	v33 =	vmul.f32 v32, v17;
	s21 =	simm.s32 @!p0 $0x0;
	v24 =	vld [tilespmem:s1+$0x0]  }
0xb2: {  	s0 =	sor.u32 s2, s0;
	v23 =	vadd.f32 v31, v23;
	v21 =	vadd.f32 v26, v21;
	v26 =	vmul.f32 v36, v17;
	s21 =	sshll.u32 s21, $0x6;
	v27 =	vld [tilespmem:s1+$0x80];
	v17 =	vmovc v37  }
.Ltmp2:
0xb3: {  	v20 =	vadd.f32 v41, v20;
	v25 =	vmul.f32 v25, v16;
	v22 =	vadd.f32 v42, v22;
	s29 =	sadd.s32 s21, s28;
	v28 =	vld [tilespmem:s0+$0x0];
	(pc) =	sbr.rel @p1 .LBB2_7-.Ltmp2, $4  }
0xb4: {  	v35 =	vmul.f32 v35, v16;
	v16 =	vmovc v45;
	v23 =	vadd.f32 v33, v23;
	v21 =	vadd.f32 v26, v21;
	s1 =	sor.u32 $0x100, s29;
	v32 =	vld [tilespmem:s0+$0x80]  }
0xb5: {  	v20 =	vadd.f32 v29, v20;
	v22 =	vadd.f32 v30, v22;
	v31 =	vcvt.s32.f32 v43;
	s0 =	sor.u32 $0x180, s29;
	v26 =	vld [tilespmem:s1+$0x2000];
	s1 =	sadd.s32 $0x30, s29  }
0xb6: {  	v34 =	vcvt.s32.f32 v44;
	v23 =	vadd.f32 v25, v23;
	v21 =	vadd.f32 v35, v21;
	v33 =	vld [tilespmem:s0+$0x2000];
	s0 =	sor.u32 $0x100, s1  }
0xb7: {  	v29 =	vcvt.s32.f32 v39;
	s28 =	sadd.s32 $0x100, s28;
	s30 =	sadd.s32 $0x20, s29;
	v30 =	vcvt.s32.f32 v40;
	s31 =	sor.u32 $0x180, s1;
	v25 =	vld [tilespmem:s0+$0x2000]  }
0xb8: {  	v24 =	vcvt.s32.f32 v24  }
0xb9: {  	v27 =	vcvt.s32.f32 v27;
	v28 =	vcvt.s32.f32 v28  }
0xba: {  	s0 =	sor.u32 $0x100, s30;
	v35 =	vld [tilespmem:s31+$0x2000];
	s1 =	sadd.s32 $0x10, s29;
	v31 =	vmul.f32 v31, v18;
	v34 =	vmul.f32 v34, v18  }
0xbb: {  	v32 =	vcvt.s32.f32 v32;
	v36 =	vld [tilespmem:s0+$0x2000];
	s2 =	sor.u32 $0x100, s1;
	v29 =	vmul.f32 v29, v16  }
0xbc: {  	v30 =	vmul.f32 v30, v16;
	v26 =	vcvt.s32.f32 v26;
	v38 =	vld [tilespmem:s2+$0x2000];
	s2 =	sor.u32 $0x180, s1  }
0xbd: {  	s31 =	sor.u32 $0x180, s30;
	v24 =	vmul.f32 v24, v17;
	v27 =	vmul.f32 v27, v17;
	v39 =	vld [tilespmem:s2+$0x2000]  }
0xbe: {  	v37 =	vld [tilespmem:s31+$0x2000];
	v28 =	vmul.f32 v28, v19;
	v33 =	vcvt.s32.f32 v33  }
0xbf: {  	v32 =	vmul.f32 v32, v19;
	v25 =	vcvt.s32.f32 v25  }
0xc0: {  	v20 =	vadd.f32 v31, v20;
	v26 =	vmul.f32 v26, v18;
	v35 =	vcvt.s32.f32 v35  }
0xc1: {  	v22 =	vadd.f32 v34, v22;
	v18 =	vmul.f32 v33, v18;
	v38 =	vcvt.s32.f32 v38  }
0xc2: {  	v20 =	vadd.f32 v28, v20;
	v36 =	vcvt.s32.f32 v36;
	v31 =	vcvt.s32.f32 v39  }
0xc3: {  	v37 =	vcvt.s32.f32 v37;
	v23 =	vadd.f32 v26, v23;
	v63 =	vmul.f32 v38, v19  }
0xc4: {  	v18 =	vadd.f32 v18, v21;
	v21 =	vadd.f32 v32, v22;
	v19 =	vmul.f32 v31, v19  }
0xc5: {  	v20 =	vadd.f32 v24, v20;
	v22 =	vmul.f32 v36, v17;
	v23 =	vadd.f32 v63, v23  }
0xc6: {  	v17 =	vmul.f32 v37, v17;
	v18 =	vadd.f32 v19, v18;
	v19 =	vadd.f32 v27, v21  }
0xc7: {  	v20 =	vadd.f32 v29, v20;
	v21 =	vmul.f32 v25, v16;
	v22 =	vadd.f32 v22, v23  }
0xc8: {  	v16 =	vmul.f32 v35, v16;
	v17 =	vadd.f32 v17, v18;
	v18 =	vadd.f32 v30, v19  }
0xc9: {  	[tilespmem:$0x12480] =	vst v20;
	v19 =	vadd.f32 v21, v22  }
0xca: {  	v16 =	vadd.f32 v16, v17;
	[tilespmem:$0x12500] =	vst v18  }
0xcb: {  	[tilespmem:$0x12580] =	vst v19  }
0xcc: {  	p0 =	seq.s32 s23, $0x3;
	[tilespmem:$0x12600] =	vst v16  }
0xcd: {  	s0 =	sadd.s32 @!p0 s25, s10;
	_ =	swait.ge [sflag:s19], $0x8000  }
0xce: {  	s21 =	simm.s32 @!p0 $0x2000;
	s25 =	simm.s32 $0x0;
	[sflag:s19] =	ssyncset.done $0x0  }
0xcf: {  	s1 =	simm.s32 @!p0 $0x200;
	s2 =	simm.s32 @!p0 $0x400;
	[sflag:s19] =	ssyncadd.s32 $0xFFFF8000  }
0xd0: {  	[tilespmem:s21], [sflag:$0x1] =	stream.strided.gather @!p0 [hbm4b:s0+s1], $0x8000, s2, s1, $0x38;
	[tilespmem:$0x12880] =	vst v63  }
0xd1: {  	s21 =	sand.u32 $0x7E00, s25  }
0xd2: {  	s26 =	simm.s32 $0x0;
	s1 =	sand.u32 $0x40, s25;
	s0 =	sadd.s32 $0xA000, s21  }
0xd3: {  	v18 =	vld [tilespmem:s26+$0x0];
	s31 =	sor.u32 s1, s0  }
0xd4: {  	s21 =	sand.u32 $0x1F80, s25;
	s26 =	sor.u32 $0x30, s1;
	v20 =	vld [tilespmem:s31+$0x0]  }
0xd5: {  	s28 =	sor.u32 s26, s21;
	v21 =	vld [tilespmem:s31+$0x80]  }
0xd6: {  	s26 =	sor.u32 s26, s0;
	v16 =	vld [tilespmem:s28+$0x0]  }
0xd7: {  	s31 =	sor.u32 $0x20, s1;
	v22 =	vld [tilespmem:s26+$0x0]  }
0xd8: {  	s1 =	sor.u32 $0x10, s1;
	v23 =	vld [tilespmem:s26+$0x80];
	s29 =	sor.u32 s31, s21  }
0xd9: {  	s21 =	sor.u32 s1, s21;
	v17 =	vld [tilespmem:s29+$0x0]  }
0xda: {  	p0 =	por $0x0, $0x0;
	s2 =	sor.u32 s31, s0;
	v19 =	vld [tilespmem:s21+$0x0];
	s21 =	simm.s32 $0x1  }
0xdb: {  	v24 =	vld [tilespmem:s2+$0x0];
	s21 =	simm.s32 @!p0 $0x0  }
0xdc: {  	s0 =	sor.u32 s1, s0;
	v27 =	vld [tilespmem:s2+$0x80];
	s21 =	sshll.u32 s21, $0x6  }
0xdd: {  	v28 =	vld [tilespmem:s0+$0x0];
	s28 =	sadd.s32 $0x0, s21  }
0xde: {  	v32 =	vld [tilespmem:s0+$0x80];
	s2 =	sor.u32 $0x100, s28  }
0xdf: {  	v31 =	vcvt.s32.f32 v20;
	v34 =	vcvt.s32.f32 v21;
	s21 =	sor.u32 $0x180, s28;
	s26 =	sadd.s32 $0x30, s28;
	v26 =	vld [tilespmem:s2+$0xA000]  }
0xe0: {  	v20 =	vimm.f32 $0.0e+00;
	v29 =	vcvt.s32.f32 v22;
	v30 =	vcvt.s32.f32 v23;
	v33 =	vld [tilespmem:s21+$0xA000];
	s31 =	sor.u32 $0x100, s26  }
0xe1: {  	v22 =	vimm.f32 $0.0e+00;
	v23 =	vimm.f32 $0.0e+00;
	v21 =	vimm.f32 $0.0e+00;
	s29 =	sadd.s32 $0x20, s28;
	s30 =	sor.u32 $0x180, s26;
	s26 =	simm.s32 $0x100;
	v25 =	vld [tilespmem:s31+$0xA000]  }
.LBB2_9:
0xe2: {  	p1 =	sne.s32 s26, $0x7F00;
	v24 =	vcvt.s32.f32 v24;
	v27 =	vcvt.s32.f32 v27;
	s0 =	sor.u32 $0x100, s29;
	v35 =	vld [tilespmem:s30+$0xA000]  }
0xe3: {  	v28 =	vcvt.s32.f32 v28;
	s1 =	sadd.s32 $0x10, s28;
	v32 =	vcvt.s32.f32 v32;
	v36 =	vld [tilespmem:s0+$0xA000];
	s0 =	sor.u32 $0x180, s29  }
0xe4: {  	v31 =	vmul.f32 v31, v18;
	v34 =	vmul.f32 v34, v18;
	s2 =	sor.u32 $0x100, s1;
	v37 =	vld [tilespmem:s0+$0xA000]  }
0xe5: {  	s25 =	sadd.s32 $0x40, s25;
	s1 =	sor.u32 $0x180, s1;
	s0 =	sand.u32 $0x7E00, s26;
	v26 =	vcvt.s32.f32 v26;
	v33 =	vcvt.s32.f32 v33;
	v38 =	vld [tilespmem:s2+$0xA000]  }
0xe6: {  	s21 =	sshra.s32 s26, $0x2;
	v29 =	vmul.f32 v29, v16;
	v30 =	vmul.f32 v30, v16;
	s2 =	sand.u32 $0x40, s25;
	s0 =	sadd.s32 $0xA000, s0;
	v39 =	vld [tilespmem:s1+$0xA000]  }
0xe7: {  	v41 =	vmul.f32 v24, v17;
	v42 =	vmul.f32 v27, v17;
	s1 =	sor.u32 s2, s0;
	v40 =	vld [tilespmem:s21+$0x0]  }
0xe8: {  	s28 =	sor.u32 $0x30, s2;
	v25 =	vcvt.s32.f32 v25;
	s21 =	sand.u32 $0x1F80, s25;
	v35 =	vcvt.s32.f32 v35;
	v43 =	vld [tilespmem:s1+$0x0]  }
0xe9: {  	v27 =	vmul.f32 v28, v19;
	v28 =	vmul.f32 v32, v19;
	s29 =	sor.u32 s28, s21;
	v44 =	vld [tilespmem:s1+$0x80];
	s1 =	sor.u32 $0x20, s2  }
0xea: {  	v32 =	vcvt.s32.f32 v36;
	v36 =	vcvt.s32.f32 v37;
	s30 =	sor.u32 s1, s21;
	v45 =	vld [tilespmem:s29+$0x0]  }
0xeb: {  	s28 =	sor.u32 s28, s0;
	v24 =	vcvt.s32.f32 v38;
	v37 =	vld [tilespmem:s30+$0x0];
	v38 =	vcvt.s32.f32 v39  }
0xec: {  	v26 =	vmul.f32 v26, v18;
	v33 =	vmul.f32 v33, v18;
	s2 =	sor.u32 $0x10, s2;
	v39 =	vld [tilespmem:s28+$0x0];
	v18 =	vmov v40  }
0xed: {  	v20 =	vadd.f32 v31, v20;
	v22 =	vadd.f32 v34, v22;
	s21 =	sor.u32 s2, s21;
	v31 =	vmul.f32 v24, v19;
	v40 =	vld [tilespmem:s28+$0x80]  }
0xee: {  	p0 =	por !p0, !p0;
	v23 =	vadd.f32 v26, v23;
	v21 =	vadd.f32 v33, v21;
	s1 =	sor.u32 s1, s0;
	v26 =	vmul.f32 v38, v19;
	v19 =	vld [tilespmem:s21+$0x0];
	s21 =	simm.s32 $0x1  }
0xef: {  	v20 =	vadd.f32 v27, v20;
	v22 =	vadd.f32 v28, v22;
	v33 =	vmul.f32 v32, v17;
	s21 =	simm.s32 @!p0 $0x0;
	v24 =	vld [tilespmem:s1+$0x0]  }
0xf0: {  	s0 =	sor.u32 s2, s0;
	v23 =	vadd.f32 v31, v23;
	v21 =	vadd.f32 v26, v21;
	v26 =	vmul.f32 v36, v17;
	s21 =	sshll.u32 s21, $0x6;
	v27 =	vld [tilespmem:s1+$0x80];
	v17 =	vmovc v37  }
.Ltmp3:
0xf1: {  	v20 =	vadd.f32 v41, v20;
	v25 =	vmul.f32 v25, v16;
	v22 =	vadd.f32 v42, v22;
	s28 =	sadd.s32 s21, s26;
	v28 =	vld [tilespmem:s0+$0x0];
	(pc) =	sbr.rel @p1 .LBB2_9-.Ltmp3, $4  }
0xf2: {  	v35 =	vmul.f32 v35, v16;
	v16 =	vmovc v45;
	v23 =	vadd.f32 v33, v23;
	v21 =	vadd.f32 v26, v21;
	s1 =	sor.u32 $0x100, s28;
	v32 =	vld [tilespmem:s0+$0x80]  }
0xf3: {  	v20 =	vadd.f32 v29, v20;
	v22 =	vadd.f32 v30, v22;
	v31 =	vcvt.s32.f32 v43;
	s0 =	sor.u32 $0x180, s28;
	v26 =	vld [tilespmem:s1+$0xA000];
	s1 =	sadd.s32 $0x30, s28  }
0xf4: {  	v34 =	vcvt.s32.f32 v44;
	v23 =	vadd.f32 v25, v23;
	v21 =	vadd.f32 v35, v21;
	v33 =	vld [tilespmem:s0+$0xA000];
	s0 =	sor.u32 $0x100, s1  }
0xf5: {  	v29 =	vcvt.s32.f32 v39;
	s26 =	sadd.s32 $0x100, s26;
	s29 =	sadd.s32 $0x20, s28;
	v30 =	vcvt.s32.f32 v40;
	s30 =	sor.u32 $0x180, s1;
	v25 =	vld [tilespmem:s0+$0xA000]  }
0xf6: {  	v24 =	vcvt.s32.f32 v24;
	v27 =	vcvt.s32.f32 v27  }
0xf7: {  	v28 =	vcvt.s32.f32 v28;
	s1 =	sadd.s32 $0x10, s28;
	v31 =	vmul.f32 v31, v18  }
0xf8: {  	v35 =	vld [tilespmem:s30+$0xA000];
	v34 =	vmul.f32 v34, v18;
	v32 =	vcvt.s32.f32 v32;
	s2 =	sor.u32 $0x100, s1  }
0xf9: {  	s31 =	sor.u32 $0x180, s1;
	v29 =	vmul.f32 v29, v16;
	v30 =	vmul.f32 v30, v16;
	v38 =	vld [tilespmem:s2+$0xA000]  }
0xfa: {  	s0 =	sor.u32 $0x100, s29;
	v26 =	vcvt.s32.f32 v26;
	v39 =	vld [tilespmem:s31+$0xA000];
	v24 =	vmul.f32 v24, v17  }
0xfb: {  	s30 =	sor.u32 $0x180, s29;
	v36 =	vld [tilespmem:s0+$0xA000];
	v27 =	vmul.f32 v27, v17;
	v28 =	vmul.f32 v28, v19  }
0xfc: {  	v37 =	vld [tilespmem:s30+$0xA000];
	v20 =	vadd.f32 v31, v20;
	v33 =	vcvt.s32.f32 v33;
	v32 =	vmul.f32 v32, v19  }
0xfd: {  	v22 =	vadd.f32 v34, v22;
	v25 =	vcvt.s32.f32 v25;
	v26 =	vmul.f32 v26, v18  }
0xfe: {  	v20 =	vadd.f32 v28, v20;
	v35 =	vcvt.s32.f32 v35;
	v38 =	vcvt.s32.f32 v38  }
0xff: {  	v47 =	vmul.f32 v33, v18;
	v50 =	vadd.f32 v32, v22;
	v46 =	vcvt.s32.f32 v39  }
0x100: {  	v36 =	vcvt.s32.f32 v36;
	v23 =	vadd.f32 v26, v23;
	v48 =	vmul.f32 v38, v19  }
0x101: {  	v37 =	vcvt.s32.f32 v37;
	v18 =	vadd.f32 v47, v21;
	v49 =	vmul.f32 v46, v19  }
0x102: {  	v20 =	vadd.f32 v24, v20;
	v51 =	vmul.f32 v36, v17;
	v23 =	vadd.f32 v48, v23  }
0x103: {  	v52 =	vadd.f32 v27, v50;
	v17 =	vmul.f32 v37, v17;
	v18 =	vadd.f32 v49, v18  }
0x104: {  	v53 =	vmul.f32 v25, v16;
	v20 =	vadd.f32 v29, v20;
	v22 =	vadd.f32 v51, v23  }
0x105: {  	v16 =	vmul.f32 v35, v16;
	v54 =	vadd.f32 v30, v52;
	v17 =	vadd.f32 v17, v18  }
0x106: {  	[tilespmem:$0x12680] =	vst v20;
	v55 =	vadd.f32 v53, v22  }
0x107: {  	[tilespmem:$0x12700] =	vst v54;
	v16 =	vadd.f32 v16, v17  }
0x108: {  	[tilespmem:$0x12780] =	vst v55  }
0x109: {  	[tilespmem:$0x12800] =	vst v16  }
0x10a: {  	v16 =	vld.idx.msk [tilespmem:v0+s20+$0x0], $0xffff;
	_ =	sdelay $0x1  }
0x10b: {  	v17 =	vld.idx.msk [tilespmem:v1+s20+$0x0], $0xffff;
	_ =	sdelay $0x1  }
0x10c: {  	v18 =	vld.idx.msk [tilespmem:v2+s20+$0x0], $0xffff  }
0x10d: {  	v16 =	vadd.f32 $0.0e+00, v16  }
0x10e: {  	v19 =	vld.idx.msk [tilespmem:v3+s20+$0x0], $0xffff  }
0x10f: {  	v16 =	vadd.f32 v17, v16  }
0x110: {  	v17 =	vld.idx.msk [tilespmem:v4+s20+$0x0], $0xffff  }
0x111: {  	v16 =	vadd.f32 v18, v16  }
0x112: {  	v56 =	vld.idx.msk [tilespmem:v5+s20+$0x0], $0xffff  }
0x113: {  	v16 =	vadd.f32 v19, v16  }
0x114: {  	v57 =	vld.idx.msk [tilespmem:v6+s20+$0x0], $0xffff  }
0x115: {  	v16 =	vadd.f32 v17, v16  }
0x116: {  	v17 =	vld.idx.msk [tilespmem:v7+s20+$0x0], $0xffff  }
0x117: {  	v16 =	vadd.f32 v56, v16  }
0x118: {  	v58 =	vld.idx.msk [tilespmem:v8+s20+$0x0], $0xffff  }
0x119: {  	v16 =	vadd.f32 v57, v16  }
0x11a: {  	v59 =	vld.idx.msk [tilespmem:v9+s20+$0x0], $0xffff  }
0x11b: {  	v16 =	vadd.f32 v17, v16  }
0x11c: {  	v17 =	vld.idx.msk [tilespmem:v10+s20+$0x0], $0xffff  }
0x11d: {  	v16 =	vadd.f32 v58, v16  }
0x11e: {  	v60 =	vld.idx.msk [tilespmem:v11+s20+$0x0], $0xffff  }
0x11f: {  	v16 =	vadd.f32 v59, v16  }
0x120: {  	v61 =	vld.idx.msk [tilespmem:v12+s20+$0x0], $0xffff  }
0x121: {  	v16 =	vadd.f32 v17, v16  }
0x122: {  	v17 =	vld.idx.msk [tilespmem:v13+s20+$0x0], $0xffff  }
0x123: {  	v16 =	vadd.f32 v60, v16  }
0x124: {  	v62 =	vld.idx.msk [tilespmem:v14+s20+$0x0], $0xffff  }
0x125: {  	v16 =	vadd.f32 v61, v16  }
0x126: {  	v63 =	vld.idx.msk [tilespmem:v15+s20+$0x0], $0xffff  }
0x127: {  	s23 =	sadd.s32 $0x1, s23;
	v16 =	vadd.f32 v17, v16  }
0x128: {  	p0 =	sne.s32 s23, $0x4  }
.Ltmp4:
0x129: {  	v16 =	vadd.f32 v62, v16;
	(pc) =	sbr.rel @p0 .LBB2_2-.Ltmp4, $3  }
0x12a: {  	_ = 	snop  }
0x12b: {  	v16 =	vadd.f32 v63, v16;
	_ =	sdelay $0x1  }
0x12c: {  	[tilespmem:s24+$0x12000] =	vst v16  }
0x12d: {  	s22 =	sadd.s32 $0x1, s22  }
0x12e: {  	p0 =	sne.s32 s22, s12  }
.Ltmp5:
0x12f: {  	s0 =	simm.s32 $0x12000;
	(pc) =	sbr.rel @p0 .LBB2_1-.Ltmp5, $4  }
0x130: {  	[hbm4b:s11+s3] =	stream.linear.scatter [tilespmem:s0], [sflag:$0x3], $0x40, $0x38;
	[tilespmem:$0x12880] =	vst v63  }
0x131: {  	_ =	swait.ge [sflag:s13], $0x40  }
0x132: {  	[sflag:s13] =	ssyncset.done $0x0  }
0x133: {  	[sflag:s13] =	ssyncadd.s32 $0xFFFFFFC0  }
0x134: {  	_ =	sfence.sel $0x180000  }
0x135: {  	[bflag:$0x0] =	sbarrier.arrive $0xFFFF  }
0x136: {  	_ =	strace $0x90000047  }
0x137: {  	s0 =	stileid.u32;
	[bflag:$0x2] =	sbarrier.arrive $0xFFFF  }
0x138: {  	p0 =	sne.s32 s0, $0x0;
	s0 =	rddreg [dreg:$0x3]  }
0x139: {  	s0 =	sadd.s32 @!p0 $0x100000, s0  }
0x13a: {  	[sflag:s0] =	ssyncadd.tile.s32 @!p0 $0x1;
	_ =	shalt  }
.Lfunc_end2:
_tile_overlayer_lowered:
.L_overlay_start_2:
0x13b: {  	(tag) =	ssettag $0x2  }
0x13c: {  	s0 =	rddreg [dreg:$0x0];
	s2 =	stileid.u32  }
0x13d: {  	s1 =	rddreg [dreg:$0x1];
	p0 =	sne.s32 s2, $0x0  }
0x13e: {  	s3 =	rddreg [dreg:$0x2];
	[bflag:$0x3] =	sbarrier.arrive $0xFFFF;
	s2 =	simm.s32 @!p0 $0x1C03  }
0x13f: {  	[timem:s3], [sflag:s2] =	dma.local @!p0 [hbm:s0], s1  }
0x140: {  	s0 =	simm.s32 @!p0 $0x3  }
0x141: {  	_ =	swait.ge @!p0 [sflag:s0], s1  }
0x142: {  	s1 =	ssub.s32 @!p0 $0x0, s1;
	[sflag:s0] =	ssyncset.done @!p0 $0x0  }
0x143: {  	[sflag:s0] =	ssyncadd.s32 @!p0 s1  }
0x144: {  	[bflag:$0x3] =	sbarrier.arrive $0xFFFF  }
0x145: {  	_ =	shalt  }

</sc_bundles>
